<compile_context>
chip_gen: v7x
topology: tpu7x:2x2x1
jax: 0.10.2.dev20260603
libtpu: 0.0.44.dev20260713+nightly
codegen_flags: <defaults>
</compile_context>

<pallas_src>
import functools

import jax
import jax.numpy as jnp
from jax import lax
from jax.experimental import pallas as pl
from jax.experimental.pallas import tpu as pltpu
from jax.experimental.pallas import tpu_sc as plsc

_BSZ = 128
_MIX = 2
_FEAT = 128
_K = 2048
_TEMP = 0.07
_EPS = 0.1
_MOM = 0.5
_ITERS = 100

_NW = 32
_TOT = _BSZ * _K
_PER_W = _TOT // _NW
_CH = 128
_B_PER_W = _BSZ // _NW
_CH_PER_B = _K // _CH


def _mesh():
    return plsc.VectorSubcoreMesh(core_axis_name="c", subcore_axis_name="s")


def _sc_midx_body(mem_hbm, idx_hbm, midx_hbm, idxbuf, rows, sem):
    c = lax.axis_index("c")
    s = lax.axis_index("s")
    wid = s * 2 + c

    @pl.when(wid < 16)
    def _():
        base = pl.multiple_of(wid * 8, 8)
        pltpu.sync_copy(idx_hbm.at[pl.ds(base, 8)], idxbuf)
        pltpu.async_copy(mem_hbm.at[idxbuf], rows, sem).wait()
        pltpu.sync_copy(rows, midx_hbm.at[pl.ds(base, 8)])


def _sc_midx(memory, idx):
    f = pl.kernel(
        _sc_midx_body,
        mesh=_mesh(),
        out_type=jax.ShapeDtypeStruct((_BSZ, _FEAT), jnp.float32),
        scratch_types=[
            pltpu.VMEM((8,), jnp.int32),
            pltpu.VMEM((8, _FEAT), jnp.float32),
            pltpu.SemaphoreType.DMA,
        ],
    )
    return f(memory, idx)


_NBLK = 4096
_NSTEPS = (100000 + _NBLK - 1) // _NBLK


def _tcd_body(es_ref, mem_ref, d_ref, idxr_ref, out_ref):
    i = pl.program_id(0)
    logits = _dotT(mem_ref[...], es_ref[...])
    rowids = ((i * _NBLK).astype(jnp.float32) +
              lax.broadcasted_iota(jnp.int32, (_NBLK, 1), 0)
              .astype(jnp.float32))
    onehot = (rowids == idxr_ref[...]).astype(jnp.float32)
    corr = lax.dot_general(onehot, d_ref[...], (((1,), (1,)), ((), ())),
                           preferred_element_type=jnp.float32)
    out_ref[...] = logits + corr


def _tcd(es, memory, dmat, idx_row):
    return pl.pallas_call(
        _tcd_body,
        grid=(_NSTEPS,),
        in_specs=[
            pl.BlockSpec((_BSZ * _MIX, _FEAT), lambda i: (0, 0)),
            pl.BlockSpec((_NBLK, _FEAT), lambda i: (i, 0)),
            pl.BlockSpec((_BSZ * _MIX, _BSZ), lambda i: (0, 0)),
            pl.BlockSpec((1, _BSZ), lambda i: (0, 0)),
        ],
        out_specs=pl.BlockSpec((_NBLK, _BSZ * _MIX), lambda i: (i, 0)),
        out_shape=jax.ShapeDtypeStruct((100000, _BSZ * _MIX), jnp.float32),
        compiler_params=pltpu.CompilerParams(
            dimension_semantics=("arbitrary",)),
    )(es, memory, dmat, idx_row)


def _lanes(val):
    return jnp.zeros((16,), jnp.int32) + val


def _sc_neggather_body(lg_hbm, cidx_hbm, negA_hbm, negB_hbm,
                       cbuf, abuf, bbuf, rA, rB, semA, semB):
    c = lax.axis_index("c")
    s = lax.axis_index("s")
    wid = s * 2 + c
    base_chunk = wid * (_PER_W // _CH)

    def start(j):
        p = lax.rem(j, 2)
        off = pl.multiple_of((base_chunk + j) * _CH, _CH)
        b = lax.div(base_chunk + j, _CH_PER_B)
        csl = cbuf.at[pl.ds(p * _CH, _CH)]
        pltpu.sync_copy(cidx_hbm.at[pl.ds(off, _CH)], csl)
        for g in range(8):
            v = cbuf[pl.ds(p * _CH + g * 16, 16)]
            abuf[pl.ds(p * _CH + g * 16, 16)] = v * (_BSZ * _MIX) + 2 * b
            bbuf[pl.ds(p * _CH + g * 16, 16)] = v * (_BSZ * _MIX) + 2 * b + 1
        pltpu.async_copy(lg_hbm.at[abuf.at[pl.ds(p * _CH, _CH)]],
                         rA.at[pl.ds(p * _CH, _CH)], semA.at[p])
        pltpu.async_copy(lg_hbm.at[bbuf.at[pl.ds(p * _CH, _CH)]],
                         rB.at[pl.ds(p * _CH, _CH)], semB.at[p])

    start(jnp.int32(0))

    def chunk_body(j, carry):
        @pl.when(j < _PER_W // _CH - 1)
        def _():
            start(j + 1)
        p = lax.rem(j, 2)
        off = pl.multiple_of((base_chunk + j) * _CH, _CH)
        dummy = lg_hbm.at[pl.ds(0, _CH)]
        pltpu.make_async_copy(dummy, rA.at[pl.ds(p * _CH, _CH)],
                              semA.at[p]).wait()
        pltpu.make_async_copy(dummy, rB.at[pl.ds(p * _CH, _CH)],
                              semB.at[p]).wait()
        pltpu.sync_copy(rA.at[pl.ds(p * _CH, _CH)],
                        negA_hbm.at[pl.ds(off, _CH)])
        pltpu.sync_copy(rB.at[pl.ds(p * _CH, _CH)],
                        negB_hbm.at[pl.ds(off, _CH)])
        return carry

    lax.fori_loop(0, _PER_W // _CH, chunk_body, 0)


def _sc_neggather(logits_flat, cidx_flat):
    f = pl.kernel(
        _sc_neggather_body,
        mesh=_mesh(),
        out_type=[
            jax.ShapeDtypeStruct((_TOT,), jnp.float32),
            jax.ShapeDtypeStruct((_TOT,), jnp.float32),
        ],
        scratch_types=[
            pltpu.VMEM((2 * _CH,), jnp.int32),
            pltpu.VMEM((2 * _CH,), jnp.int32),
            pltpu.VMEM((2 * _CH,), jnp.int32),
            pltpu.VMEM((2 * _CH,), jnp.float32),
            pltpu.VMEM((2 * _CH,), jnp.float32),
            pltpu.SemaphoreType.DMA((2,)),
            pltpu.SemaphoreType.DMA((2,)),
        ],
    )
    return f(logits_flat, cidx_flat)


def _dotT(a, b):
    return lax.dot_general(a, b, (((1,), (1,)), ((), ())),
                           preferred_element_type=jnp.float32)


def _tca_body(fs_ref, ft_ref, wsw_ref, wsb_ref, wtw_ref, wtb_ref,
              midx_ref, idxr_ref, idxc_ref,
              es_ref, d_ref, posx_ref):
    fs = fs_ref[...]
    ft = ft_ref[...]
    es = _dotT(fs, wsw_ref[...]) + wsb_ref[...]
    et = _dotT(ft, wtw_ref[...]) + wtb_ref[...]
    es = es * jax.lax.rsqrt(jnp.sum(es * es, axis=1, keepdims=True))
    et = et * jax.lax.rsqrt(jnp.sum(et * et, axis=1, keepdims=True))

    ii = lax.broadcasted_iota(jnp.int32, (_BSZ, _BSZ * _MIX), 0)
    jj = lax.broadcasted_iota(jnp.int32, (_BSZ, _BSZ * _MIX), 1)
    sel_e = (jj == 2 * ii).astype(jnp.float32)
    sel_o = (jj == 2 * ii + 1).astype(jnp.float32)
    es_e = lax.dot_general(sel_e, es, (((1,), (0,)), ((), ())),
                           preferred_element_type=jnp.float32)
    es_o = lax.dot_general(sel_o, es, (((1,), (0,)), ((), ())),
                           preferred_element_type=jnp.float32)
    et_e = lax.dot_general(sel_e, et, (((1,), (0,)), ((), ())),
                           preferred_element_type=jnp.float32)
    et_o = lax.dot_general(sel_o, et, (((1,), (0,)), ((), ())),
                           preferred_element_type=jnp.float32)

    midx = midx_ref[...]
    pos = midx * _MOM + et_e * (1.0 - _MOM)
    pos = pos * jax.lax.rsqrt(jnp.sum(pos * pos, axis=1, keepdims=True))

    idx_r = idxr_ref[...]
    idx_c = idxc_ref[...]
    eqm = (idx_c == idx_r).astype(jnp.float32)
    pp = lax.broadcasted_iota(jnp.int32, (_BSZ, _BSZ), 0)
    qq = lax.broadcasted_iota(jnp.int32, (_BSZ, _BSZ), 1)
    later_dup = eqm * (qq > pp).astype(jnp.float32)
    active = 1.0 - jnp.max(later_dup, axis=1, keepdims=True)

    delta = (pos - midx) * active
    d_ref[...] = _dotT(es, delta)

    ones_row = jnp.ones((1, _FEAT), jnp.float32)

    def _rowdot(x, y):
        return lax.dot_general(ones_row, x * y, (((1,), (1,)), ((), ())),
                               preferred_element_type=jnp.float32)

    g00 = _rowdot(es_e, et_e)
    g01 = _rowdot(es_e, et_o)
    g10 = _rowdot(es_o, et_e)
    g11 = _rowdot(es_o, et_o)
    c00 = 2.0 - 2.0 * g00
    c01 = 2.0 - 2.0 * g01
    c10 = 2.0 - 2.0 * g10
    c11 = 2.0 - 2.0 * g11
    lmu = jnp.log(0.5 + 1e-8)

    def m_all(u0, u1, v0, v1):
        m00 = (-c00 + u0 + v0) / _EPS
        m01 = (-c01 + u0 + v1) / _EPS
        m10 = (-c10 + u1 + v0) / _EPS
        m11 = (-c11 + u1 + v1) / _EPS
        return m00, m01, m10, m11

    def sink_step(_, carry):
        u0, u1, v0, v1 = carry
        m00, m01, m10, m11 = m_all(u0, u1, v0, v1)
        u0 = _EPS * (lmu - jnp.logaddexp(m00, m01)) + u0
        u1 = _EPS * (lmu - jnp.logaddexp(m10, m11)) + u1
        m00, m01, m10, m11 = m_all(u0, u1, v0, v1)
        v0 = _EPS * (lmu - jnp.logaddexp(m00, m10)) + v0
        v1 = _EPS * (lmu - jnp.logaddexp(m01, m11)) + v1
        return u0, u1, v0, v1

    z = jnp.zeros((1, _BSZ), jnp.float32)
    u0, u1, v0, v1 = lax.fori_loop(0, _ITERS, sink_step, (z, z, z, z))
    m00, m01, m10, m11 = m_all(u0, u1, v0, v1)
    posx = (jnp.exp(m00) * g00 + jnp.exp(m01) * g01 +
            jnp.exp(m10) * g10 + jnp.exp(m11) * g11)

    es_ref[...] = es
    posx_ref[...] = posx


def _tca(feat_s, feat_t, wsw, wsb, wtw, wtb, midx, idx_row, idx_col):
    return pl.pallas_call(
        _tca_body,
        out_shape=[
            jax.ShapeDtypeStruct((_BSZ * _MIX, _FEAT), jnp.float32),
            jax.ShapeDtypeStruct((_BSZ * _MIX, _BSZ), jnp.float32),
            jax.ShapeDtypeStruct((1, _BSZ), jnp.float32),
        ],
    )(feat_s, feat_t, wsw, wsb, wtw, wtb, midx, idx_row, idx_col)


def _tce_body(negA_ref, negB_ref, posx_ref, out_ref):
    ng = (jnp.exp(negA_ref[...] / _TEMP) +
          jnp.exp(negB_ref[...] / _TEMP))
    ones_k = jnp.ones((1, _K), jnp.float32)
    ngs = lax.dot_general(ones_k, ng, (((1,), (1,)), ((), ())),
                          preferred_element_type=jnp.float32)
    p = jnp.exp(posx_ref[...] / _TEMP)
    logits = jnp.log(p / (p + ngs))
    out_ref[0, 0] = -jnp.sum(logits) / _BSZ


def _tce(negA, negB, posx_row):
    return pl.pallas_call(
        _tce_body,
        out_specs=pl.BlockSpec(memory_space=pltpu.SMEM),
        out_shape=jax.ShapeDtypeStruct((1, 1), jnp.float32),
    )(negA, negB, posx_row)


def kernel(feat_s, feat_t, memory, Ws_w, Ws_b, Wt_w, Wt_b, labels, idx,
           contrast_idx):
    feat_s = feat_s.reshape(_BSZ * _MIX, -1)
    feat_t = feat_t.reshape(_BSZ * _MIX, -1)
    cidx_flat = contrast_idx.reshape(_TOT).astype(jnp.int32)
    idx_i = idx.astype(jnp.int32)

    midx = _sc_midx(memory, idx_i)

    idx_f = idx.astype(jnp.float32)
    idx_row = idx_f.reshape(1, _BSZ)
    idx_col = idx_f.reshape(_BSZ, 1)
    es, dmat, posx = _tca(feat_s, feat_t, Ws_w, Ws_b.reshape(1, _FEAT),
                          Wt_w, Wt_b.reshape(1, _FEAT), midx, idx_row, idx_col)

    logits = _tcd(es, memory, dmat, idx_row)
    negA, negB = _sc_neggather(logits.reshape(100000 * _BSZ * _MIX), cidx_flat)

    loss = _tce(negA.reshape(_BSZ, _K), negB.reshape(_BSZ, _K), posx)
    return loss.reshape(())

# --- scband reference (transcript-rebuilt; emitter-appended) ---
"""Pipeline reference for scband-packdcon-loss-85495618994565 (READ-ONLY COPY).

The authoritative reference and input builder live on the scoring server;
editing this copy changes nothing except your own understanding.
"""

import jax, jax.numpy as jnp
import numpy as np

BSZ = 128
MIXUP = 2
S_DIM = 2048
T_DIM = 2048
FEAT_DIM = 128
N_DATA = 100000
NCE_K = 2048
TEMP = 0.07
EPS = 0.1
MOM = 0.5
SINK_ITERS = 100


def _l2norm(x):
    return x / jnp.power(jnp.sum(jnp.power(x, 2), axis=1, keepdims=True), 0.5)


def _embed(x, W, b):
    x = x.reshape(x.shape[0], -1)
    x = x @ W.T + b
    return _l2norm(x)


def _sinkhorn(x, y, eps=EPS, n_iter=SINK_ITERS):
    # standard log-domain Sinkhorn (SinkhornDistance(opt.ops_eps, 100))
    C = jnp.sum((x[:, :, None, :] - y[:, None, :, :]) ** 2, axis=-1)
    bsz, m, n = C.shape
    mu = jnp.full((bsz, m), 1.0 / m, dtype=x.dtype)
    nu = jnp.full((bsz, n), 1.0 / n, dtype=x.dtype)

    def M(u, v):
        return (-C + u[:, :, None] + v[:, None, :]) / eps

    def body(i, uv):
        u, v = uv
        u = eps * (jnp.log(mu + 1e-8) - jax.nn.logsumexp(M(u, v), axis=-1)) + u
        v = eps * (jnp.log(nu + 1e-8) - jax.nn.logsumexp(jnp.swapaxes(M(u, v), -2, -1), axis=-1)) + v
        return (u, v)

    u0 = jnp.zeros_like(mu)
    v0 = jnp.zeros_like(nu)
    u, v = jax.lax.fori_loop(0, n_iter, body, (u0, v0))
    pi = jnp.exp(M(u, v))
    cost = jnp.sum(pi * C, axis=(-2, -1))
    return cost, pi, C


def setup_inputs(seed: int = 0):
    key = jax.random.key(seed)
    ks = [jax.random.fold_in(key, i) for i in range(10)]
    feat_s = jax.random.normal(ks[0], (BSZ * MIXUP, S_DIM), dtype=jnp.float32)
    feat_t = jax.random.normal(ks[1], (BSZ * MIXUP, T_DIM), dtype=jnp.float32)
    labels = jax.random.randint(ks[2], (BSZ,), 0, 100)
    idx = jax.random.randint(ks[3], (BSZ,), 0, N_DATA)
    contrast_idx = jax.random.randint(ks[4], (BSZ, NCE_K), 0, N_DATA)
    memory = _l2norm(jax.random.normal(ks[5], (N_DATA, FEAT_DIM), dtype=jnp.float32))
    Ws_w = jax.random.normal(ks[6], (FEAT_DIM, S_DIM), dtype=jnp.float32) / np.sqrt(S_DIM)
    Ws_b = jnp.zeros((FEAT_DIM,), jnp.float32)
    Wt_w = jax.random.normal(ks[7], (FEAT_DIM, T_DIM), dtype=jnp.float32) / np.sqrt(T_DIM)
    Wt_b = jnp.zeros((FEAT_DIM,), jnp.float32)
    return {"feat_s": feat_s, "feat_t": feat_t, "memory": memory,
            "Ws_w": Ws_w, "Ws_b": Ws_b, "Wt_w": Wt_w, "Wt_b": Wt_b,
            "labels": labels, "idx": idx, "contrast_idx": contrast_idx}


def _forward(feat_s, feat_t, memory, Ws_w, Ws_b, Wt_w, Wt_b, idx, contrast_idx):
    es = _embed(feat_s, Ws_w, Ws_b)
    et = _embed(feat_t, Wt_w, Wt_b)
    # nor_index: rows where arange % mixup_num == 0
    et_nor = et[0::MIXUP]
    # SimpleMemory update (momentum blend + renorm, scatter-overwrite; no grad to memory)
    pos = memory[idx] * MOM + jax.lax.stop_gradient(et_nor) * (1.0 - MOM)
    pos = _l2norm(pos)
    mem = memory.at[idx].set(pos)
    # expand contrast_idx to bsz*mixup rows and gather negatives
    cidx_e = jnp.repeat(contrast_idx, MIXUP, axis=0)
    w = jnp.take(mem, cidx_e, axis=0)  # [bsz*m, K, d]
    neg_out = jnp.einsum('bkd,bd->bk', w, es)
    neg_x = neg_out.reshape(BSZ, -1)
    es3 = es.reshape(BSZ, MIXUP, -1)
    et3 = et.reshape(BSZ, MIXUP, -1)
    # pi = distance_metric(...)[1].detach()
    _, pi, _ = _sinkhorn(jax.lax.stop_gradient(es3), jax.lax.stop_gradient(et3))
    pi = jax.lax.stop_gradient(pi)
    pos_x = jnp.einsum('bmd,bnd->bmn', es3, et3) * pi
    pos_x = jnp.sum(pos_x, axis=(-2, -1)).reshape(BSZ, -1)
    # ContrastNCELoss (pi=None branch)
    p = jnp.exp(pos_x / TEMP)
    ng = jnp.exp(neg_x / TEMP)
    Ng = jnp.sum(ng, axis=-1, keepdims=True)
    logits = jnp.log(p / (p + Ng))
    loss = -jnp.sum(jnp.mean(logits, axis=-1)) / BSZ
    return loss


def reference(feat_s, feat_t, memory, Ws_w, Ws_b, Wt_w, Wt_b, labels, idx, contrast_idx):
    return _forward(feat_s, feat_t, memory, Ws_w, Ws_b, Wt_w, Wt_b, idx, contrast_idx)

if __name__ == "__main__":
    import jax
    _d = setup_inputs()
    print(jax.jit(kernel)(*tuple(_d.values())))

</pallas_src>

<mosaic_0001>
#map = affine_map<(d0, d1) -> (0, 0)>
#map1 = affine_map<(d0, d1) -> (0)>
module attributes {stable_mosaic.version = 14 : i64} {
  func.func @_sc_midx_body(%arg0: i32, %arg1: i32, %arg2: memref<100000x128xf32, #tpu.memory_space<hbm>>, %arg3: memref<128xi32, #tpu.memory_space<hbm>>, %arg4: memref<128x128xf32, #tpu.memory_space<hbm>>, %arg5: memref<8xi32, #tpu.memory_space<vmem>>, %arg6: memref<8x128xf32, #tpu.memory_space<vmem>>, %arg7: memref<!tpu.dma_semaphore, #tpu.memory_space<semaphore_mem>>) attributes {dimension_semantics = [#tpu.dimension_semantics<core_parallel>, #tpu.dimension_semantics<subcore_parallel>], iteration_bounds = array<i64: 2, 16>, scalar_prefetch = 0 : i64, scratch_operands = 3 : i64, tpu.core_type = #tpu.core_type<sc_vector_subcore>, window_params = [{transform_indices = #map}, {transform_indices = #map1}, {transform_indices = #map}]} {
    %mul3A = arith.constant 2 : i32
    %mul3A_0 = arith.muli %arg1, %mul3A : i32
    %add3A = arith.addi %mul3A_0, %arg0 : i32
    %lt3A = arith.constant 16 : i32
    %lt3A_1 = arith.cmpi slt, %add3A, %lt3A : i32
    %convert_element_type3A = arith.extui %lt3A_1 : i1 to i32
    %cond3A = arith.constant 0 : i32
    %cond3A_2 = arith.cmpi ne, %convert_element_type3A, %cond3A : i32
    scf.if %cond3A_2 {
      %mul3A_3 = arith.constant 8 : i32
      %mul3A_4 = arith.muli %add3A, %mul3A_3 : i32
      %multiple_of3A = tpu.assume_multiple %mul3A_4, 8 : i32
      "tpu.region"() ({
        %run_scoped3A = tpu.sem_alloc : memref<!tpu.dma_semaphore, #tpu.memory_space<semaphore_mem>>
        %dma_start3A_9 = tpu.memref_slice %arg3[%multiple_of3A] : memref<128xi32, #tpu.memory_space<hbm>> -> memref<8xi32, #tpu.memory_space<hbm>>
        %dma_start3A_10 = tpu.memref_slice %arg3[%multiple_of3A] : memref<128xi32, #tpu.memory_space<hbm>> -> memref<8xi32, #tpu.memory_space<hbm>>
        tpu.enqueue_dma source(%dma_start3A_10 : memref<8xi32, #tpu.memory_space<hbm>>) target(%arg5 : memref<8xi32, #tpu.memory_space<vmem>>) target_semaphore(%run_scoped3A : memref<!tpu.dma_semaphore, #tpu.memory_space<semaphore_mem>>)
        %dma_wait3A_11 = tpu.memref_slice %arg3[%multiple_of3A] : memref<128xi32, #tpu.memory_space<hbm>> -> memref<8xi32, #tpu.memory_space<hbm>>
        %dma_wait3A_12 = tpu.memref_slice %arg3[%multiple_of3A] : memref<128xi32, #tpu.memory_space<hbm>> -> memref<8xi32, #tpu.memory_space<hbm>>
        tpu.wait_dma2 semaphore(%run_scoped3A : memref<!tpu.dma_semaphore, #tpu.memory_space<semaphore_mem>>) src(%dma_wait3A_12 : memref<8xi32, #tpu.memory_space<hbm>>) dst(%arg5 : memref<8xi32, #tpu.memory_space<vmem>>)
        tpu.yield
      }) : () -> ()
      %dma_start3A = arith.constant 0 : i32
      %dma_start3A_5 = arith.constant 0 : i32
      %dma_start3A_6 = tpu.memref_slice %arg2[%dma_start3A, %dma_start3A_5] : memref<100000x128xf32, #tpu.memory_space<hbm>> -> memref<100000x128xf32, #tpu.memory_space<hbm>>
      tpu.enqueue_indirect_dma source(%dma_start3A_6 : memref<100000x128xf32, #tpu.memory_space<hbm>>) target(%arg6 : memref<8x128xf32, #tpu.memory_space<vmem>>) offsets(%arg5 : memref<8xi32, #tpu.memory_space<vmem>>) semaphore(%arg7 : memref<!tpu.dma_semaphore, #tpu.memory_space<semaphore_mem>>)
      %dma_wait3A = arith.constant 0 : i32
      %dma_wait3A_7 = arith.constant 0 : i32
      %dma_wait3A_8 = tpu.memref_slice %arg2[%dma_wait3A, %dma_wait3A_7] : memref<100000x128xf32, #tpu.memory_space<hbm>> -> memref<100000x128xf32, #tpu.memory_space<hbm>>
      tpu.wait_indirect_dma semaphore(%arg7 : memref<!tpu.dma_semaphore, #tpu.memory_space<semaphore_mem>>) src(%dma_wait3A_8 : memref<100000x128xf32, #tpu.memory_space<hbm>>) dst(%arg6 : memref<8x128xf32, #tpu.memory_space<vmem>>)
      "tpu.region"() ({
        %run_scoped3A = tpu.sem_alloc : memref<!tpu.dma_semaphore, #tpu.memory_space<semaphore_mem>>
        %dma_start3A_9 = arith.constant 0 : i32
        %dma_start3A_10 = tpu.memref_slice %arg4[%multiple_of3A, %dma_start3A_9] : memref<128x128xf32, #tpu.memory_space<hbm>> -> memref<8x128xf32, #tpu.memory_space<hbm>>
        %dma_start3A_11 = arith.constant 0 : i32
        %dma_start3A_12 = tpu.memref_slice %arg4[%multiple_of3A, %dma_start3A_11] : memref<128x128xf32, #tpu.memory_space<hbm>> -> memref<8x128xf32, #tpu.memory_space<hbm>>
        tpu.enqueue_dma source(%arg6 : memref<8x128xf32, #tpu.memory_space<vmem>>) target(%dma_start3A_12 : memref<8x128xf32, #tpu.memory_space<hbm>>) target_semaphore(%run_scoped3A : memref<!tpu.dma_semaphore, #tpu.memory_space<semaphore_mem>>)
        %dma_wait3A_13 = arith.constant 0 : i32
        %dma_wait3A_14 = tpu.memref_slice %arg4[%multiple_of3A, %dma_wait3A_13] : memref<128x128xf32, #tpu.memory_space<hbm>> -> memref<8x128xf32, #tpu.memory_space<hbm>>
        %dma_wait3A_15 = arith.constant 0 : i32
        %dma_wait3A_16 = tpu.memref_slice %arg4[%multiple_of3A, %dma_wait3A_15] : memref<128x128xf32, #tpu.memory_space<hbm>> -> memref<8x128xf32, #tpu.memory_space<hbm>>
        tpu.wait_dma2 semaphore(%run_scoped3A : memref<!tpu.dma_semaphore, #tpu.memory_space<semaphore_mem>>) src(%arg6 : memref<8x128xf32, #tpu.memory_space<vmem>>) dst(%dma_wait3A_16 : memref<8x128xf32, #tpu.memory_space<hbm>>)
        tpu.yield
      }) : () -> ()
    } else {
    }
    return
  }
}

#map = affine_map<(d0, d1) -> (0)>
module attributes {stable_mosaic.version = 14 : i64} {
  func.func @_sc_neggather_body(%arg0: i32, %arg1: i32, %arg2: memref<25600000xf32, #tpu.memory_space<hbm>>, %arg3: memref<262144xi32, #tpu.memory_space<hbm>>, %arg4: memref<262144xf32, #tpu.memory_space<hbm>>, %arg5: memref<262144xf32, #tpu.memory_space<hbm>>, %arg6: memref<256xi32, #tpu.memory_space<vmem>>, %arg7: memref<256xi32, #tpu.memory_space<vmem>>, %arg8: memref<256xi32, #tpu.memory_space<vmem>>, %arg9: memref<256xf32, #tpu.memory_space<vmem>>, %arg10: memref<256xf32, #tpu.memory_space<vmem>>, %arg11: memref<2x!tpu.dma_semaphore, #tpu.memory_space<semaphore_mem>>, %arg12: memref<2x!tpu.dma_semaphore, #tpu.memory_space<semaphore_mem>>) attributes {dimension_semantics = [#tpu.dimension_semantics<core_parallel>, #tpu.dimension_semantics<subcore_parallel>], iteration_bounds = array<i64: 2, 16>, scalar_prefetch = 0 : i64, scratch_operands = 7 : i64, tpu.core_type = #tpu.core_type<sc_vector_subcore>, window_params = [{transform_indices = #map}, {transform_indices = #map}, {transform_indices = #map}, {transform_indices = #map}]} {
    %mul3A = arith.constant 2 : i32
    %mul3A_0 = arith.muli %arg1, %mul3A : i32
    %add3A = arith.addi %mul3A_0, %arg0 : i32
    %mul3A_1 = arith.constant 64 : i32
    %mul3A_2 = arith.muli %add3A, %mul3A_1 : i32
    %rem3A = arith.constant 0 : i32
    %rem3A_3 = arith.constant 2 : i32
    %rem3A_4 = arith.remsi %rem3A, %rem3A_3 : i32
    %add3A_5 = arith.constant 0 : i32
    %add3A_6 = arith.addi %mul3A_2, %add3A_5 : i32
    %mul3A_7 = arith.constant 128 : i32
    %mul3A_8 = arith.muli %add3A_6, %mul3A_7 : i32
    %multiple_of3A = tpu.assume_multiple %mul3A_8, 128 : i32
    %add3A_9 = arith.constant 0 : i32
    %add3A_10 = arith.addi %mul3A_2, %add3A_9 : i32
    %div3A = arith.constant 16 : i32
    %div3A_11 = arith.divsi %add3A_10, %div3A : i32
    %mul3A_12 = arith.constant 128 : i32
    %mul3A_13 = arith.muli %rem3A_4, %mul3A_12 : i32
    "tpu.region"() ({
      %run_scoped3A = tpu.sem_alloc : memref<!tpu.dma_semaphore, #tpu.memory_space<semaphore_mem>>
      %dma_start3A_356 = tpu.memref_slice %arg6[%mul3A_13] : memref<256xi32, #tpu.memory_space<vmem>> -> memref<128xi32, #tpu.memory_space<vmem>>
      %dma_start3A_357 = tpu.memref_slice %arg3[%multiple_of3A] : memref<262144xi32, #tpu.memory_space<hbm>> -> memref<128xi32, #tpu.memory_space<hbm>>
      %dma_start3A_358 = tpu.memref_slice %arg6[%mul3A_13] : memref<256xi32, #tpu.memory_space<vmem>> -> memref<128xi32, #tpu.memory_space<vmem>>
      %dma_start3A_359 = tpu.memref_slice %arg3[%multiple_of3A] : memref<262144xi32, #tpu.memory_space<hbm>> -> memref<128xi32, #tpu.memory_space<hbm>>
      tpu.enqueue_dma source(%dma_start3A_359 : memref<128xi32, #tpu.memory_space<hbm>>) target(%dma_start3A_358 : memref<128xi32, #tpu.memory_space<vmem>>) target_semaphore(%run_scoped3A : memref<!tpu.dma_semaphore, #tpu.memory_space<semaphore_mem>>)
      %dma_wait3A = tpu.memref_slice %arg6[%mul3A_13] : memref<256xi32, #tpu.memory_space<vmem>> -> memref<128xi32, #tpu.memory_space<vmem>>
      %dma_wait3A_360 = tpu.memref_slice %arg3[%multiple_of3A] : memref<262144xi32, #tpu.memory_space<hbm>> -> memref<128xi32, #tpu.memory_space<hbm>>
      %dma_wait3A_361 = tpu.memref_slice %arg6[%mul3A_13] : memref<256xi32, #tpu.memory_space<vmem>> -> memref<128xi32, #tpu.memory_space<vmem>>
      %dma_wait3A_362 = tpu.memref_slice %arg3[%multiple_of3A] : memref<262144xi32, #tpu.memory_space<hbm>> -> memref<128xi32, #tpu.memory_space<hbm>>
      tpu.wait_dma2 semaphore(%run_scoped3A : memref<!tpu.dma_semaphore, #tpu.memory_space<semaphore_mem>>) src(%dma_wait3A_362 : memref<128xi32, #tpu.memory_space<hbm>>) dst(%dma_wait3A_361 : memref<128xi32, #tpu.memory_space<vmem>>)
      tpu.yield
    }) : () -> ()
    %mul3A_14 = arith.constant 128 : i32
    %mul3A_15 = arith.muli %rem3A_4, %mul3A_14 : i32
    %add3A_16 = arith.constant 0 : i32
    %add3A_17 = arith.addi %mul3A_15, %add3A_16 : i32
    %get3A = arith.index_cast %add3A_17 : i32 to index
    %get3A_18 = tpu.vector_load %arg6[%get3A] {strides = array<i32>} : memref<256xi32, #tpu.memory_space<vmem>>, vector<16xi32>,
    %get3A_19 = vector.shape_cast %get3A_18 : vector<16xi32> to vector<16xi32>
    %mul3A_20 = arith.constant 256 : i32
    %mul3A_21 = vector.broadcast %mul3A_20 : i32 to vector<16xi32>
    %mul3A_22 = arith.muli %get3A_19, %mul3A_21 : vector<16xi32>
    %mul3A_23 = arith.constant 2 : i32
    %mul3A_24 = arith.muli %mul3A_23, %div3A_11 : i32
    %add3A_25 = vector.broadcast %mul3A_24 : i32 to vector<16xi32>
    %add3A_26 = arith.addi %mul3A_22, %add3A_25 : vector<16xi32>
    %mul3A_27 = arith.constant 128 : i32
    %mul3A_28 = arith.muli %rem3A_4, %mul3A_27 : i32
    %add3A_29 = arith.constant 0 : i32
    %add3A_30 = arith.addi %mul3A_28, %add3A_29 : i32
    %swap3A = arith.index_cast %add3A_30 : i32 to index
    %swap3A_31 = tpu.vector_load %arg7[%swap3A] {strides = array<i32>} : memref<256xi32, #tpu.memory_space<vmem>>, vector<16xi32>,
    %swap3A_32 = vector.shape_cast %swap3A_31 : vector<16xi32> to vector<16xi32>
    %swap3A_33 = vector.shape_cast %add3A_26 : vector<16xi32> to vector<16xi32>
    tpu.vector_store %arg7[%swap3A], %swap3A_33 {strides = array<i32>} : memref<256xi32, #tpu.memory_space<vmem>>, vector<16xi32>,
    %mul3A_34 = arith.constant 256 : i32
    %mul3A_35 = vector.broadcast %mul3A_34 : i32 to vector<16xi32>
    %mul3A_36 = arith.muli %get3A_19, %mul3A_35 : vector<16xi32>
    %mul3A_37 = arith.constant 2 : i32
    %mul3A_38 = arith.muli %mul3A_37, %div3A_11 : i32
    %add3A_39 = vector.broadcast %mul3A_38 : i32 to vector<16xi32>
    %add3A_40 = arith.addi %mul3A_36, %add3A_39 : vector<16xi32>
    %add3A_41 = arith.constant 1 : i32
    %add3A_42 = vector.broadcast %add3A_41 : i32 to vector<16xi32>
    %add3A_43 = arith.addi %add3A_40, %add3A_42 : vector<16xi32>
    %mul3A_44 = arith.constant 128 : i32
    %mul3A_45 = arith.muli %rem3A_4, %mul3A_44 : i32
    %add3A_46 = arith.constant 0 : i32
    %add3A_47 = arith.addi %mul3A_45, %add3A_46 : i32
    %swap3A_48 = arith.index_cast %add3A_47 : i32 to index
    %swap3A_49 = tpu.vector_load %arg8[%swap3A_48] {strides = array<i32>} : memref<256xi32, #tpu.memory_space<vmem>>, vector<16xi32>,
    %swap3A_50 = vector.shape_cast %swap3A_49 : vector<16xi32> to vector<16xi32>
    %swap3A_51 = vector.shape_cast %add3A_43 : vector<16xi32> to vector<16xi32>
    tpu.vector_store %arg8[%swap3A_48], %swap3A_51 {strides = array<i32>} : memref<256xi32, #tpu.memory_space<vmem>>, vector<16xi32>,
    %mul3A_52 = arith.constant 128 : i32
    %mul3A_53 = arith.muli %rem3A_4, %mul3A_52 : i32
    %add3A_54 = arith.constant 16 : i32
    %add3A_55 = arith.addi %mul3A_53, %add3A_54 : i32
    %get3A_56 = arith.index_cast %add3A_55 : i32 to index
    %get3A_57 = tpu.vector_load %arg6[%get3A_56] {strides = array<i32>} : memref<256xi32, #tpu.memory_space<vmem>>, vector<16xi32>,
    %get3A_58 = vector.shape_cast %get3A_57 : vector<16xi32> to vector<16xi32>
    %mul3A_59 = arith.constant 256 : i32
    %mul3A_60 = vector.broadcast %mul3A_59 : i32 to vector<16xi32>
    %mul3A_61 = arith.muli %get3A_58, %mul3A_60 : vector<16xi32>
    %mul3A_62 = arith.constant 2 : i32
    %mul3A_63 = arith.muli %mul3A_62, %div3A_11 : i32
    %add3A_64 = vector.broadcast %mul3A_63 : i32 to vector<16xi32>
    %add3A_65 = arith.addi %mul3A_61, %add3A_64 : vector<16xi32>
    %mul3A_66 = arith.constant 128 : i32
    %mul3A_67 = arith.muli %rem3A_4, %mul3A_66 : i32
    %add3A_68 = arith.constant 16 : i32
    %add3A_69 = arith.addi %mul3A_67, %add3A_68 : i32
    %swap3A_70 = arith.index_cast %add3A_69 : i32 to index
    %swap3A_71 = tpu.vector_load %arg7[%swap3A_70] {strides = array<i32>} : memref<256xi32, #tpu.memory_space<vmem>>, vector<16xi32>,
    %swap3A_72 = vector.shape_cast %swap3A_71 : vector<16xi32> to vector<16xi32>
    %swap3A_73 = vector.shape_cast %add3A_65 : vector<16xi32> to vector<16xi32>
    tpu.vector_store %arg7[%swap3A_70], %swap3A_73 {strides = array<i32>} : memref<256xi32, #tpu.memory_space<vmem>>, vector<16xi32>,
    %mul3A_74 = arith.constant 256 : i32
    %mul3A_75 = vector.broadcast %mul3A_74 : i32 to vector<16xi32>
    %mul3A_76 = arith.muli %get3A_58, %mul3A_75 : vector<16xi32>
    %mul3A_77 = arith.constant 2 : i32
    %mul3A_78 = arith.muli %mul3A_77, %div3A_11 : i32
    %add3A_79 = vector.broadcast %mul3A_78 : i32 to vector<16xi32>
    %add3A_80 = arith.addi %mul3A_76, %add3A_79 : vector<16xi32>
    %add3A_81 = arith.constant 1 : i32
    %add3A_82 = vector.broadcast %add3A_81 : i32 to vector<16xi32>
    %add3A_83 = arith.addi %add3A_80, %add3A_82 : vector<16xi32>
    %mul3A_84 = arith.constant 128 : i32
    %mul3A_85 = arith.muli %rem3A_4, %mul3A_84 : i32
    %add3A_86 = arith.constant 16 : i32
    %add3A_87 = arith.addi %mul3A_85, %add3A_86 : i32
    %swap3A_88 = arith.index_cast %add3A_87 : i32 to index
    %swap3A_89 = tpu.vector_load %arg8[%swap3A_88] {strides = array<i32>} : memref<256xi32, #tpu.memory_space<vmem>>, vector<16xi32>,
    %swap3A_90 = vector.shape_cast %swap3A_89 : vector<16xi32> to vector<16xi32>
    %swap3A_91 = vector.shape_cast %add3A_83 : vector<16xi32> to vector<16xi32>
    tpu.vector_store %arg8[%swap3A_88], %swap3A_91 {strides = array<i32>} : memref<256xi32, #tpu.memory_space<vmem>>, vector<16xi32>,
    %mul3A_92 = arith.constant 128 : i32
    %mul3A_93 = arith.muli %rem3A_4, %mul3A_92 : i32
    %add3A_94 = arith.constant 32 : i32
    %add3A_95 = arith.addi %mul3A_93, %add3A_94 : i32
    %get3A_96 = arith.index_cast %add3A_95 : i32 to index
    %get3A_97 = tpu.vector_load %arg6[%get3A_96] {strides = array<i32>} : memref<256xi32, #tpu.memory_space<vmem>>, vector<16xi32>,
    %get3A_98 = vector.shape_cast %get3A_97 : vector<16xi32> to vector<16xi32>
    %mul3A_99 = arith.constant 256 : i32
    %mul3A_100 = vector.broadcast %mul3A_99 : i32 to vector<16xi32>
    %mul3A_101 = arith.muli %get3A_98, %mul3A_100 : vector<16xi32>
    %mul3A_102 = arith.constant 2 : i32
    %mul3A_103 = arith.muli %mul3A_102, %div3A_11 : i32
    %add3A_104 = vector.broadcast %mul3A_103 : i32 to vector<16xi32>
    %add3A_105 = arith.addi %mul3A_101, %add3A_104 : vector<16xi32>
    %mul3A_106 = arith.constant 128 : i32
    %mul3A_107 = arith.muli %rem3A_4, %mul3A_106 : i32
    %add3A_108 = arith.constant 32 : i32
    %add3A_109 = arith.addi %mul3A_107, %add3A_108 : i32
    %swap3A_110 = arith.index_cast %add3A_109 : i32 to index
    %swap3A_111 = tpu.vector_load %arg7[%swap3A_110] {strides = array<i32>} : memref<256xi32, #tpu.memory_space<vmem>>, vector<16xi32>,
    %swap3A_112 = vector.shape_cast %swap3A_111 : vector<16xi32> to vector<16xi32>
    %swap3A_113 = vector.shape_cast %add3A_105 : vector<16xi32> to vector<16xi32>
    tpu.vector_store %arg7[%swap3A_110], %swap3A_113 {strides = array<i32>} : memref<256xi32, #tpu.memory_space<vmem>>, vector<16xi32>,
    %mul3A_114 = arith.constant 256 : i32
    %mul3A_115 = vector.broadcast %mul3A_114 : i32 to vector<16xi32>
    %mul3A_116 = arith.muli %get3A_98, %mul3A_115 : vector<16xi32>
    %mul3A_117 = arith.constant 2 : i32
    %mul3A_118 = arith.muli %mul3A_117, %div3A_11 : i32
    %add3A_119 = vector.broadcast %mul3A_118 : i32 to vector<16xi32>
    %add3A_120 = arith.addi %mul3A_116, %add3A_119 : vector<16xi32>
    %add3A_121 = arith.constant 1 : i32
    %add3A_122 = vector.broadcast %add3A_121 : i32 to vector<16xi32>
    %add3A_123 = arith.addi %add3A_120, %add3A_122 : vector<16xi32>
    %mul3A_124 = arith.constant 128 : i32
    %mul3A_125 = arith.muli %rem3A_4, %mul3A_124 : i32
    %add3A_126 = arith.constant 32 : i32
    %add3A_127 = arith.addi %mul3A_125, %add3A_126 : i32
    %swap3A_128 = arith.index_cast %add3A_127 : i32 to index
    %swap3A_129 = tpu.vector_load %arg8[%swap3A_128] {strides = array<i32>} : memref<256xi32, #tpu.memory_space<vmem>>, vector<16xi32>,
    %swap3A_130 = vector.shape_cast %swap3A_129 : vector<16xi32> to vector<16xi32>
    %swap3A_131 = vector.shape_cast %add3A_123 : vector<16xi32> to vector<16xi32>
    tpu.vector_store %arg8[%swap3A_128], %swap3A_131 {strides = array<i32>} : memref<256xi32, #tpu.memory_space<vmem>>, vector<16xi32>,
    %mul3A_132 = arith.constant 128 : i32
    %mul3A_133 = arith.muli %rem3A_4, %mul3A_132 : i32
    %add3A_134 = arith.constant 48 : i32
    %add3A_135 = arith.addi %mul3A_133, %add3A_134 : i32
    %get3A_136 = arith.index_cast %add3A_135 : i32 to index
    %get3A_137 = tpu.vector_load %arg6[%get3A_136] {strides = array<i32>} : memref<256xi32, #tpu.memory_space<vmem>>, vector<16xi32>,
    %get3A_138 = vector.shape_cast %get3A_137 : vector<16xi32> to vector<16xi32>
    %mul3A_139 = arith.constant 256 : i32
    %mul3A_140 = vector.broadcast %mul3A_139 : i32 to vector<16xi32>
    %mul3A_141 = arith.muli %get3A_138, %mul3A_140 : vector<16xi32>
    %mul3A_142 = arith.constant 2 : i32
    %mul3A_143 = arith.muli %mul3A_142, %div3A_11 : i32
    %add3A_144 = vector.broadcast %mul3A_143 : i32 to vector<16xi32>
    %add3A_145 = arith.addi %mul3A_141, %add3A_144 : vector<16xi32>
    %mul3A_146 = arith.constant 128 : i32
    %mul3A_147 = arith.muli %rem3A_4, %mul3A_146 : i32
    %add3A_148 = arith.constant 48 : i32
    %add3A_149 = arith.addi %mul3A_147, %add3A_148 : i32
    %swap3A_150 = arith.index_cast %add3A_149 : i32 to index
    %swap3A_151 = tpu.vector_load %arg7[%swap3A_150] {strides = array<i32>} : memref<256xi32, #tpu.memory_space<vmem>>, vector<16xi32>,
    %swap3A_152 = vector.shape_cast %swap3A_151 : vector<16xi32> to vector<16xi32>
    %swap3A_153 = vector.shape_cast %add3A_145 : vector<16xi32> to vector<16xi32>
    tpu.vector_store %arg7[%swap3A_150], %swap3A_153 {strides = array<i32>} : memref<256xi32, #tpu.memory_space<vmem>>, vector<16xi32>,
    %mul3A_154 = arith.constant 256 : i32
    %mul3A_155 = vector.broadcast %mul3A_154 : i32 to vector<16xi32>
    %mul3A_156 = arith.muli %get3A_138, %mul3A_155 : vector<16xi32>
    %mul3A_157 = arith.constant 2 : i32
    %mul3A_158 = arith.muli %mul3A_157, %div3A_11 : i32
    %add3A_159 = vector.broadcast %mul3A_158 : i32 to vector<16xi32>
    %add3A_160 = arith.addi %mul3A_156, %add3A_159 : vector<16xi32>
    %add3A_161 = arith.constant 1 : i32
    %add3A_162 = vector.broadcast %add3A_161 : i32 to vector<16xi32>
    %add3A_163 = arith.addi %add3A_160, %add3A_162 : vector<16xi32>
    %mul3A_164 = arith.constant 128 : i32
    %mul3A_165 = arith.muli %rem3A_4, %mul3A_164 : i32
    %add3A_166 = arith.constant 48 : i32
    %add3A_167 = arith.addi %mul3A_165, %add3A_166 : i32
    %swap3A_168 = arith.index_cast %add3A_167 : i32 to index
    %swap3A_169 = tpu.vector_load %arg8[%swap3A_168] {strides = array<i32>} : memref<256xi32, #tpu.memory_space<vmem>>, vector<16xi32>,
    %swap3A_170 = vector.shape_cast %swap3A_169 : vector<16xi32> to vector<16xi32>
    %swap3A_171 = vector.shape_cast %add3A_163 : vector<16xi32> to vector<16xi32>
    tpu.vector_store %arg8[%swap3A_168], %swap3A_171 {strides = array<i32>} : memref<256xi32, #tpu.memory_space<vmem>>, vector<16xi32>,
    %mul3A_172 = arith.constant 128 : i32
    %mul3A_173 = arith.muli %rem3A_4, %mul3A_172 : i32
    %add3A_174 = arith.constant 64 : i32
    %add3A_175 = arith.addi %mul3A_173, %add3A_174 : i32
    %get3A_176 = arith.index_cast %add3A_175 : i32 to index
    %get3A_177 = tpu.vector_load %arg6[%get3A_176] {strides = array<i32>} : memref<256xi32, #tpu.memory_space<vmem>>, vector<16xi32>,
    %get3A_178 = vector.shape_cast %get3A_177 : vector<16xi32> to vector<16xi32>
    %mul3A_179 = arith.constant 256 : i32
    %mul3A_180 = vector.broadcast %mul3A_179 : i32 to vector<16xi32>
    %mul3A_181 = arith.muli %get3A_178, %mul3A_180 : vector<16xi32>
    %mul3A_182 = arith.constant 2 : i32
    %mul3A_183 = arith.muli %mul3A_182, %div3A_11 : i32
    %add3A_184 = vector.broadcast %mul3A_183 : i32 to vector<16xi32>
    %add3A_185 = arith.addi %mul3A_181, %add3A_184 : vector<16xi32>
    %mul3A_186 = arith.constant 128 : i32
    %mul3A_187 = arith.muli %rem3A_4, %mul3A_186 : i32
    %add3A_188 = arith.constant 64 : i32
    %add3A_189 = arith.addi %mul3A_187, %add3A_188 : i32
    %swap3A_190 = arith.index_cast %add3A_189 : i32 to index
    %swap3A_191 = tpu.vector_load %arg7[%swap3A_190] {strides = array<i32>} : memref<256xi32, #tpu.memory_space<vmem>>, vector<16xi32>,
    %swap3A_192 = vector.shape_cast %swap3A_191 : vector<16xi32> to vector<16xi32>
    %swap3A_193 = vector.shape_cast %add3A_185 : vector<16xi32> to vector<16xi32>
    tpu.vector_store %arg7[%swap3A_190], %swap3A_193 {strides = array<i32>} : memref<256xi32, #tpu.memory_space<vmem>>, vector<16xi32>,
    %mul3A_194 = arith.constant 256 : i32
    %mul3A_195 = vector.broadcast %mul3A_194 : i32 to vector<16xi32>
    %mul3A_196 = arith.muli %get3A_178, %mul3A_195 : vector<16xi32>
    %mul3A_197 = arith.constant 2 : i32
    %mul3A_198 = arith.muli %mul3A_197, %div3A_11 : i32
    %add3A_199 = vector.broadcast %mul3A_198 : i32 to vector<16xi32>
    %add3A_200 = arith.addi %mul3A_196, %add3A_199 : vector<16xi32>
    %add3A_201 = arith.constant 1 : i32
    %add3A_202 = vector.broadcast %add3A_201 : i32 to vector<16xi32>
    %add3A_203 = arith.addi %add3A_200, %add3A_202 : vector<16xi32>
    %mul3A_204 = arith.constant 128 : i32
    %mul3A_205 = arith.muli %rem3A_4, %mul3A_204 : i32
    %add3A_206 = arith.constant 64 : i32
    %add3A_207 = arith.addi %mul3A_205, %add3A_206 : i32
    %swap3A_208 = arith.index_cast %add3A_207 : i32 to index
    %swap3A_209 = tpu.vector_load %arg8[%swap3A_208] {strides = array<i32>} : memref<256xi32, #tpu.memory_space<vmem>>, vector<16xi32>,
    %swap3A_210 = vector.shape_cast %swap3A_209 : vector<16xi32> to vector<16xi32>
    %swap3A_211 = vector.shape_cast %add3A_203 : vector<16xi32> to vector<16xi32>
    tpu.vector_store %arg8[%swap3A_208], %swap3A_211 {strides = array<i32>} : memref<256xi32, #tpu.memory_space<vmem>>, vector<16xi32>,
    %mul3A_212 = arith.constant 128 : i32
    %mul3A_213 = arith.muli %rem3A_4, %mul3A_212 : i32
    %add3A_214 = arith.constant 80 : i32
    %add3A_215 = arith.addi %mul3A_213, %add3A_214 : i32
    %get3A_216 = arith.index_cast %add3A_215 : i32 to index
    %get3A_217 = tpu.vector_load %arg6[%get3A_216] {strides = array<i32>} : memref<256xi32, #tpu.memory_space<vmem>>, vector<16xi32>,
    %get3A_218 = vector.shape_cast %get3A_217 : vector<16xi32> to vector<16xi32>
    %mul3A_219 = arith.constant 256 : i32
    %mul3A_220 = vector.broadcast %mul3A_219 : i32 to vector<16xi32>
    %mul3A_221 = arith.muli %get3A_218, %mul3A_220 : vector<16xi32>
    %mul3A_222 = arith.constant 2 : i32
    %mul3A_223 = arith.muli %mul3A_222, %div3A_11 : i32
    %add3A_224 = vector.broadcast %mul3A_223 : i32 to vector<16xi32>
    %add3A_225 = arith.addi %mul3A_221, %add3A_224 : vector<16xi32>
    %mul3A_226 = arith.constant 128 : i32
    %mul3A_227 = arith.muli %rem3A_4, %mul3A_226 : i32
    %add3A_228 = arith.constant 80 : i32
    %add3A_229 = arith.addi %mul3A_227, %add3A_228 : i32
    %swap3A_230 = arith.index_cast %add3A_229 : i32 to index
    %swap3A_231 = tpu.vector_load %arg7[%swap3A_230] {strides = array<i32>} : memref<256xi32, #tpu.memory_space<vmem>>, vector<16xi32>,
    %swap3A_232 = vector.shape_cast %swap3A_231 : vector<16xi32> to vector<16xi32>
    %swap3A_233 = vector.shape_cast %add3A_225 : vector<16xi32> to vector<16xi32>
    tpu.vector_store %arg7[%swap3A_230], %swap3A_233 {strides = array<i32>} : memref<256xi32, #tpu.memory_space<vmem>>, vector<16xi32>,
    %mul3A_234 = arith.constant 256 : i32
    %mul3A_235 = vector.broadcast %mul3A_234 : i32 to vector<16xi32>
    %mul3A_236 = arith.muli %get3A_218, %mul3A_235 : vector<16xi32>
    %mul3A_237 = arith.constant 2 : i32
    %mul3A_238 = arith.muli %mul3A_237, %div3A_11 : i32
    %add3A_239 = vector.broadcast %mul3A_238 : i32 to vector<16xi32>
    %add3A_240 = arith.addi %mul3A_236, %add3A_239 : vector<16xi32>
    %add3A_241 = arith.constant 1 : i32
    %add3A_242 = vector.broadcast %add3A_241 : i32 to vector<16xi32>
    %add3A_243 = arith.addi %add3A_240, %add3A_242 : vector<16xi32>
    %mul3A_244 = arith.constant 128 : i32
    %mul3A_245 = arith.muli %rem3A_4, %mul3A_244 : i32
    %add3A_246 = arith.constant 80 : i32
    %add3A_247 = arith.addi %mul3A_245, %add3A_246 : i32
    %swap3A_248 = arith.index_cast %add3A_247 : i32 to index
    %swap3A_249 = tpu.vector_load %arg8[%swap3A_248] {strides = array<i32>} : memref<256xi32, #tpu.memory_space<vmem>>, vector<16xi32>,
    %swap3A_250 = vector.shape_cast %swap3A_249 : vector<16xi32> to vector<16xi32>
    %swap3A_251 = vector.shape_cast %add3A_243 : vector<16xi32> to vector<16xi32>
    tpu.vector_store %arg8[%swap3A_248], %swap3A_251 {strides = array<i32>} : memref<256xi32, #tpu.memory_space<vmem>>, vector<16xi32>,
    %mul3A_252 = arith.constant 128 : i32
    %mul3A_253 = arith.muli %rem3A_4, %mul3A_252 : i32
    %add3A_254 = arith.constant 96 : i32
    %add3A_255 = arith.addi %mul3A_253, %add3A_254 : i32
    %get3A_256 = arith.index_cast %add3A_255 : i32 to index
    %get3A_257 = tpu.vector_load %arg6[%get3A_256] {strides = array<i32>} : memref<256xi32, #tpu.memory_space<vmem>>, vector<16xi32>,
    %get3A_258 = vector.shape_cast %get3A_257 : vector<16xi32> to vector<16xi32>
    %mul3A_259 = arith.constant 256 : i32
    %mul3A_260 = vector.broadcast %mul3A_259 : i32 to vector<16xi32>
    %mul3A_261 = arith.muli %get3A_258, %mul3A_260 : vector<16xi32>
    %mul3A_262 = arith.constant 2 : i32
    %mul3A_263 = arith.muli %mul3A_262, %div3A_11 : i32
    %add3A_264 = vector.broadcast %mul3A_263 : i32 to vector<16xi32>
    %add3A_265 = arith.addi %mul3A_261, %add3A_264 : vector<16xi32>
    %mul3A_266 = arith.constant 128 : i32
    %mul3A_267 = arith.muli %rem3A_4, %mul3A_266 : i32
    %add3A_268 = arith.constant 96 : i32
    %add3A_269 = arith.addi %mul3A_267, %add3A_268 : i32
    %swap3A_270 = arith.index_cast %add3A_269 : i32 to index
    %swap3A_271 = tpu.vector_load %arg7[%swap3A_270] {strides = array<i32>} : memref<256xi32, #tpu.memory_space<vmem>>, vector<16xi32>,
    %swap3A_272 = vector.shape_cast %swap3A_271 : vector<16xi32> to vector<16xi32>
    %swap3A_273 = vector.shape_cast %add3A_265 : vector<16xi32> to vector<16xi32>
    tpu.vector_store %arg7[%swap3A_270], %swap3A_273 {strides = array<i32>} : memref<256xi32, #tpu.memory_space<vmem>>, vector<16xi32>,
    %mul3A_274 = arith.constant 256 : i32
    %mul3A_275 = vector.broadcast %mul3A_274 : i32 to vector<16xi32>
    %mul3A_276 = arith.muli %get3A_258, %mul3A_275 : vector<16xi32>
    %mul3A_277 = arith.constant 2 : i32
    %mul3A_278 = arith.muli %mul3A_277, %div3A_11 : i32
    %add3A_279 = vector.broadcast %mul3A_278 : i32 to vector<16xi32>
    %add3A_280 = arith.addi %mul3A_276, %add3A_279 : vector<16xi32>
    %add3A_281 = arith.constant 1 : i32
    %add3A_282 = vector.broadcast %add3A_281 : i32 to vector<16xi32>
    %add3A_283 = arith.addi %add3A_280, %add3A_282 : vector<16xi32>
    %mul3A_284 = arith.constant 128 : i32
    %mul3A_285 = arith.muli %rem3A_4, %mul3A_284 : i32
    %add3A_286 = arith.constant 96 : i32
    %add3A_287 = arith.addi %mul3A_285, %add3A_286 : i32
    %swap3A_288 = arith.index_cast %add3A_287 : i32 to index
    %swap3A_289 = tpu.vector_load %arg8[%swap3A_288] {strides = array<i32>} : memref<256xi32, #tpu.memory_space<vmem>>, vector<16xi32>,
    %swap3A_290 = vector.shape_cast %swap3A_289 : vector<16xi32> to vector<16xi32>
    %swap3A_291 = vector.shape_cast %add3A_283 : vector<16xi32> to vector<16xi32>
    tpu.vector_store %arg8[%swap3A_288], %swap3A_291 {strides = array<i32>} : memref<256xi32, #tpu.memory_space<vmem>>, vector<16xi32>,
    %mul3A_292 = arith.constant 128 : i32
    %mul3A_293 = arith.muli %rem3A_4, %mul3A_292 : i32
    %add3A_294 = arith.constant 112 : i32
    %add3A_295 = arith.addi %mul3A_293, %add3A_294 : i32
    %get3A_296 = arith.index_cast %add3A_295 : i32 to index
    %get3A_297 = tpu.vector_load %arg6[%get3A_296] {strides = array<i32>} : memref<256xi32, #tpu.memory_space<vmem>>, vector<16xi32>,
    %get3A_298 = vector.shape_cast %get3A_297 : vector<16xi32> to vector<16xi32>
    %mul3A_299 = arith.constant 256 : i32
    %mul3A_300 = vector.broadcast %mul3A_299 : i32 to vector<16xi32>
    %mul3A_301 = arith.muli %get3A_298, %mul3A_300 : vector<16xi32>
    %mul3A_302 = arith.constant 2 : i32
    %mul3A_303 = arith.muli %mul3A_302, %div3A_11 : i32
    %add3A_304 = vector.broadcast %mul3A_303 : i32 to vector<16xi32>
    %add3A_305 = arith.addi %mul3A_301, %add3A_304 : vector<16xi32>
    %mul3A_306 = arith.constant 128 : i32
    %mul3A_307 = arith.muli %rem3A_4, %mul3A_306 : i32
    %add3A_308 = arith.constant 112 : i32
    %add3A_309 = arith.addi %mul3A_307, %add3A_308 : i32
    %swap3A_310 = arith.index_cast %add3A_309 : i32 to index
    %swap3A_311 = tpu.vector_load %arg7[%swap3A_310] {strides = array<i32>} : memref<256xi32, #tpu.memory_space<vmem>>, vector<16xi32>,
    %swap3A_312 = vector.shape_cast %swap3A_311 : vector<16xi32> to vector<16xi32>
    %swap3A_313 = vector.shape_cast %add3A_305 : vector<16xi32> to vector<16xi32>
    tpu.vector_store %arg7[%swap3A_310], %swap3A_313 {strides = array<i32>} : memref<256xi32, #tpu.memory_space<vmem>>, vector<16xi32>,
    %mul3A_314 = arith.constant 256 : i32
    %mul3A_315 = vector.broadcast %mul3A_314 : i32 to vector<16xi32>
    %mul3A_316 = arith.muli %get3A_298, %mul3A_315 : vector<16xi32>
    %mul3A_317 = arith.constant 2 : i32
    %mul3A_318 = arith.muli %mul3A_317, %div3A_11 : i32
    %add3A_319 = vector.broadcast %mul3A_318 : i32 to vector<16xi32>
    %add3A_320 = arith.addi %mul3A_316, %add3A_319 : vector<16xi32>
    %add3A_321 = arith.constant 1 : i32
    %add3A_322 = vector.broadcast %add3A_321 : i32 to vector<16xi32>
    %add3A_323 = arith.addi %add3A_320, %add3A_322 : vector<16xi32>
    %mul3A_324 = arith.constant 128 : i32
    %mul3A_325 = arith.muli %rem3A_4, %mul3A_324 : i32
    %add3A_326 = arith.constant 112 : i32
    %add3A_327 = arith.addi %mul3A_325, %add3A_326 : i32
    %swap3A_328 = arith.index_cast %add3A_327 : i32 to index
    %swap3A_329 = tpu.vector_load %arg8[%swap3A_328] {strides = array<i32>} : memref<256xi32, #tpu.memory_space<vmem>>, vector<16xi32>,
    %swap3A_330 = vector.shape_cast %swap3A_329 : vector<16xi32> to vector<16xi32>
    %swap3A_331 = vector.shape_cast %add3A_323 : vector<16xi32> to vector<16xi32>
    tpu.vector_store %arg8[%swap3A_328], %swap3A_331 {strides = array<i32>} : memref<256xi32, #tpu.memory_space<vmem>>, vector<16xi32>,
    %mul3A_332 = arith.constant 128 : i32
    %mul3A_333 = arith.muli %rem3A_4, %mul3A_332 : i32
    %mul3A_334 = arith.constant 128 : i32
    %mul3A_335 = arith.muli %rem3A_4, %mul3A_334 : i32
    %dma_start3A = tpu.memref_slice %arg9[%mul3A_335] : memref<256xf32, #tpu.memory_space<vmem>> -> memref<128xf32, #tpu.memory_space<vmem>>
    %dma_start3A_336 = tpu.memref_slice %arg7[%mul3A_333] : memref<256xi32, #tpu.memory_space<vmem>> -> memref<128xi32, #tpu.memory_space<vmem>>
    %dma_start3A_337 = arith.constant 0 : i32
    %dma_start3A_338 = tpu.memref_slice %arg2[%dma_start3A_337] : memref<25600000xf32, #tpu.memory_space<hbm>> -> memref<25600000xf32, #tpu.memory_space<hbm>>
    %dma_start3A_339 = tpu.memref_slice %arg11[%rem3A_4] : memref<2x!tpu.dma_semaphore, #tpu.memory_space<semaphore_mem>> -> memref<1x!tpu.dma_semaphore, #tpu.memory_space<semaphore_mem>>
    %dma_start3A_340 = tpu.memref_squeeze %dma_start3A_339 : memref<1x!tpu.dma_semaphore, #tpu.memory_space<semaphore_mem>> -> memref<!tpu.dma_semaphore, #tpu.memory_space<semaphore_mem>>
    tpu.enqueue_indirect_dma source(%dma_start3A_338 : memref<25600000xf32, #tpu.memory_space<hbm>>) target(%dma_start3A : memref<128xf32, #tpu.memory_space<vmem>>) offsets(%dma_start3A_336 : memref<128xi32, #tpu.memory_space<vmem>>) semaphore(%dma_start3A_340 : memref<!tpu.dma_semaphore, #tpu.memory_space<semaphore_mem>>)
    %mul3A_341 = arith.constant 128 : i32
    %mul3A_342 = arith.muli %rem3A_4, %mul3A_341 : i32
    %mul3A_343 = arith.constant 128 : i32
    %mul3A_344 = arith.muli %rem3A_4, %mul3A_343 : i32
    %dma_start3A_345 = tpu.memref_slice %arg10[%mul3A_344] : memref<256xf32, #tpu.memory_space<vmem>> -> memref<128xf32, #tpu.memory_space<vmem>>
    %dma_start3A_346 = tpu.memref_slice %arg8[%mul3A_342] : memref<256xi32, #tpu.memory_space<vmem>> -> memref<128xi32, #tpu.memory_space<vmem>>
    %dma_start3A_347 = arith.constant 0 : i32
    %dma_start3A_348 = tpu.memref_slice %arg2[%dma_start3A_347] : memref<25600000xf32, #tpu.memory_space<hbm>> -> memref<25600000xf32, #tpu.memory_space<hbm>>
    %dma_start3A_349 = tpu.memref_slice %arg12[%rem3A_4] : memref<2x!tpu.dma_semaphore, #tpu.memory_space<semaphore_mem>> -> memref<1x!tpu.dma_semaphore, #tpu.memory_space<semaphore_mem>>
    %dma_start3A_350 = tpu.memref_squeeze %dma_start3A_349 : memref<1x!tpu.dma_semaphore, #tpu.memory_space<semaphore_mem>> -> memref<!tpu.dma_semaphore, #tpu.memory_space<semaphore_mem>>
    tpu.enqueue_indirect_dma source(%dma_start3A_348 : memref<25600000xf32, #tpu.memory_space<hbm>>) target(%dma_start3A_345 : memref<128xf32, #tpu.memory_space<vmem>>) offsets(%dma_start3A_346 : memref<128xi32, #tpu.memory_space<vmem>>) semaphore(%dma_start3A_350 : memref<!tpu.dma_semaphore, #tpu.memory_space<semaphore_mem>>)
    %scan3A = arith.constant 0 : i32
    %scan3A_351 = arith.constant 0 : i32
    %scan3A_352 = arith.constant 64 : i32
    %scan3A_353 = arith.addi %scan3A_351, %scan3A_352 : i32
    %scan3A_354 = arith.constant 1 : i32
    scf.for %scan3A_356 = %scan3A_351 to %scan3A_353 step %scan3A_354  : i32 {
      %lt3A = arith.constant 63 : i32
      %lt3A_357 = arith.cmpi slt, %scan3A_356, %lt3A : i32
      %convert_element_type3A = arith.extui %lt3A_357 : i1 to i32
      %cond3A = arith.constant 0 : i32
      %cond3A_358 = arith.cmpi ne, %convert_element_type3A, %cond3A : i32
      scf.if %cond3A_358 {
        %add3A_388 = arith.constant 1 : i32
        %add3A_389 = arith.addi %scan3A_356, %add3A_388 : i32
        %rem3A_390 = arith.constant 2 : i32
        %rem3A_391 = arith.remsi %add3A_389, %rem3A_390 : i32
        %add3A_392 = arith.addi %mul3A_2, %add3A_389 : i32
        %mul3A_393 = arith.constant 128 : i32
        %mul3A_394 = arith.muli %add3A_392, %mul3A_393 : i32
        %multiple_of3A_395 = tpu.assume_multiple %mul3A_394, 128 : i32
        %add3A_396 = arith.addi %mul3A_2, %add3A_389 : i32
        %div3A_397 = arith.constant 16 : i32
        %div3A_398 = arith.divsi %add3A_396, %div3A_397 : i32
        %mul3A_399 = arith.constant 128 : i32
        %mul3A_400 = arith.muli %rem3A_391, %mul3A_399 : i32
        "tpu.region"() ({
          %run_scoped3A = tpu.sem_alloc : memref<!tpu.dma_semaphore, #tpu.memory_space<semaphore_mem>>
          %dma_start3A_741 = tpu.memref_slice %arg6[%mul3A_400] : memref<256xi32, #tpu.memory_space<vmem>> -> memref<128xi32, #tpu.memory_space<vmem>>
          %dma_start3A_742 = tpu.memref_slice %arg3[%multiple_of3A_395] : memref<262144xi32, #tpu.memory_space<hbm>> -> memref<128xi32, #tpu.memory_space<hbm>>
          %dma_start3A_743 = tpu.memref_slice %arg6[%mul3A_400] : memref<256xi32, #tpu.memory_space<vmem>> -> memref<128xi32, #tpu.memory_space<vmem>>
          %dma_start3A_744 = tpu.memref_slice %arg3[%multiple_of3A_395] : memref<262144xi32, #tpu.memory_space<hbm>> -> memref<128xi32, #tpu.memory_space<hbm>>
          tpu.enqueue_dma source(%dma_start3A_744 : memref<128xi32, #tpu.memory_space<hbm>>) target(%dma_start3A_743 : memref<128xi32, #tpu.memory_space<vmem>>) target_semaphore(%run_scoped3A : memref<!tpu.dma_semaphore, #tpu.memory_space<semaphore_mem>>)
          %dma_wait3A_745 = tpu.memref_slice %arg6[%mul3A_400] : memref<256xi32, #tpu.memory_space<vmem>> -> memref<128xi32, #tpu.memory_space<vmem>>
          %dma_wait3A_746 = tpu.memref_slice %arg3[%multiple_of3A_395] : memref<262144xi32, #tpu.memory_space<hbm>> -> memref<128xi32, #tpu.memory_space<hbm>>
          %dma_wait3A_747 = tpu.memref_slice %arg6[%mul3A_400] : memref<256xi32, #tpu.memory_space<vmem>> -> memref<128xi32, #tpu.memory_space<vmem>>
          %dma_wait3A_748 = tpu.memref_slice %arg3[%multiple_of3A_395] : memref<262144xi32, #tpu.memory_space<hbm>> -> memref<128xi32, #tpu.memory_space<hbm>>
          tpu.wait_dma2 semaphore(%run_scoped3A : memref<!tpu.dma_semaphore, #tpu.memory_space<semaphore_mem>>) src(%dma_wait3A_748 : memref<128xi32, #tpu.memory_space<hbm>>) dst(%dma_wait3A_747 : memref<128xi32, #tpu.memory_space<vmem>>)
          tpu.yield
        }) : () -> ()
        %mul3A_401 = arith.constant 128 : i32
        %mul3A_402 = arith.muli %rem3A_391, %mul3A_401 : i32
        %add3A_403 = arith.constant 0 : i32
        %add3A_404 = arith.addi %mul3A_402, %add3A_403 : i32
        %get3A_405 = arith.index_cast %add3A_404 : i32 to index
        %get3A_406 = tpu.vector_load %arg6[%get3A_405] {strides = array<i32>} : memref<256xi32, #tpu.memory_space<vmem>>, vector<16xi32>,
        %get3A_407 = vector.shape_cast %get3A_406 : vector<16xi32> to vector<16xi32>
        %mul3A_408 = arith.constant 256 : i32
        %mul3A_409 = vector.broadcast %mul3A_408 : i32 to vector<16xi32>
        %mul3A_410 = arith.muli %get3A_407, %mul3A_409 : vector<16xi32>
        %mul3A_411 = arith.constant 2 : i32
        %mul3A_412 = arith.muli %mul3A_411, %div3A_398 : i32
        %add3A_413 = vector.broadcast %mul3A_412 : i32 to vector<16xi32>
        %add3A_414 = arith.addi %mul3A_410, %add3A_413 : vector<16xi32>
        %mul3A_415 = arith.constant 128 : i32
        %mul3A_416 = arith.muli %rem3A_391, %mul3A_415 : i32
        %add3A_417 = arith.constant 0 : i32
        %add3A_418 = arith.addi %mul3A_416, %add3A_417 : i32
        %swap3A_419 = arith.index_cast %add3A_418 : i32 to index
        %swap3A_420 = tpu.vector_load %arg7[%swap3A_419] {strides = array<i32>} : memref<256xi32, #tpu.memory_space<vmem>>, vector<16xi32>,
        %swap3A_421 = vector.shape_cast %swap3A_420 : vector<16xi32> to vector<16xi32>
        %swap3A_422 = vector.shape_cast %add3A_414 : vector<16xi32> to vector<16xi32>
        tpu.vector_store %arg7[%swap3A_419], %swap3A_422 {strides = array<i32>} : memref<256xi32, #tpu.memory_space<vmem>>, vector<16xi32>,
        %mul3A_423 = arith.constant 256 : i32
        %mul3A_424 = vector.broadcast %mul3A_423 : i32 to vector<16xi32>
        %mul3A_425 = arith.muli %get3A_407, %mul3A_424 : vector<16xi32>
        %mul3A_426 = arith.constant 2 : i32
        %mul3A_427 = arith.muli %mul3A_426, %div3A_398 : i32
        %add3A_428 = vector.broadcast %mul3A_427 : i32 to vector<16xi32>
        %add3A_429 = arith.addi %mul3A_425, %add3A_428 : vector<16xi32>
        %add3A_430 = arith.constant 1 : i32
        %add3A_431 = vector.broadcast %add3A_430 : i32 to vector<16xi32>
        %add3A_432 = arith.addi %add3A_429, %add3A_431 : vector<16xi32>
        %mul3A_433 = arith.constant 128 : i32
        %mul3A_434 = arith.muli %rem3A_391, %mul3A_433 : i32
        %add3A_435 = arith.constant 0 : i32
        %add3A_436 = arith.addi %mul3A_434, %add3A_435 : i32
        %swap3A_437 = arith.index_cast %add3A_436 : i32 to index
        %swap3A_438 = tpu.vector_load %arg8[%swap3A_437] {strides = array<i32>} : memref<256xi32, #tpu.memory_space<vmem>>, vector<16xi32>,
        %swap3A_439 = vector.shape_cast %swap3A_438 : vector<16xi32> to vector<16xi32>
        %swap3A_440 = vector.shape_cast %add3A_432 : vector<16xi32> to vector<16xi32>
        tpu.vector_store %arg8[%swap3A_437], %swap3A_440 {strides = array<i32>} : memref<256xi32, #tpu.memory_space<vmem>>, vector<16xi32>,
        %mul3A_441 = arith.constant 128 : i32
        %mul3A_442 = arith.muli %rem3A_391, %mul3A_441 : i32
        %add3A_443 = arith.constant 16 : i32
        %add3A_444 = arith.addi %mul3A_442, %add3A_443 : i32
        %get3A_445 = arith.index_cast %add3A_444 : i32 to index
        %get3A_446 = tpu.vector_load %arg6[%get3A_445] {strides = array<i32>} : memref<256xi32, #tpu.memory_space<vmem>>, vector<16xi32>,
        %get3A_447 = vector.shape_cast %get3A_446 : vector<16xi32> to vector<16xi32>
        %mul3A_448 = arith.constant 256 : i32
        %mul3A_449 = vector.broadcast %mul3A_448 : i32 to vector<16xi32>
        %mul3A_450 = arith.muli %get3A_447, %mul3A_449 : vector<16xi32>
        %mul3A_451 = arith.constant 2 : i32
        %mul3A_452 = arith.muli %mul3A_451, %div3A_398 : i32
        %add3A_453 = vector.broadcast %mul3A_452 : i32 to vector<16xi32>
        %add3A_454 = arith.addi %mul3A_450, %add3A_453 : vector<16xi32>
        %mul3A_455 = arith.constant 128 : i32
        %mul3A_456 = arith.muli %rem3A_391, %mul3A_455 : i32
        %add3A_457 = arith.constant 16 : i32
        %add3A_458 = arith.addi %mul3A_456, %add3A_457 : i32
        %swap3A_459 = arith.index_cast %add3A_458 : i32 to index
        %swap3A_460 = tpu.vector_load %arg7[%swap3A_459] {strides = array<i32>} : memref<256xi32, #tpu.memory_space<vmem>>, vector<16xi32>,
        %swap3A_461 = vector.shape_cast %swap3A_460 : vector<16xi32> to vector<16xi32>
        %swap3A_462 = vector.shape_cast %add3A_454 : vector<16xi32> to vector<16xi32>
        tpu.vector_store %arg7[%swap3A_459], %swap3A_462 {strides = array<i32>} : memref<256xi32, #tpu.memory_space<vmem>>, vector<16xi32>,
        %mul3A_463 = arith.constant 256 : i32
        %mul3A_464 = vector.broadcast %mul3A_463 : i32 to vector<16xi32>
        %mul3A_465 = arith.muli %get3A_447, %mul3A_464 : vector<16xi32>
        %mul3A_466 = arith.constant 2 : i32
        %mul3A_467 = arith.muli %mul3A_466, %div3A_398 : i32
        %add3A_468 = vector.broadcast %mul3A_467 : i32 to vector<16xi32>
        %add3A_469 = arith.addi %mul3A_465, %add3A_468 : vector<16xi32>
        %add3A_470 = arith.constant 1 : i32
        %add3A_471 = vector.broadcast %add3A_470 : i32 to vector<16xi32>
        %add3A_472 = arith.addi %add3A_469, %add3A_471 : vector<16xi32>
        %mul3A_473 = arith.constant 128 : i32
        %mul3A_474 = arith.muli %rem3A_391, %mul3A_473 : i32
        %add3A_475 = arith.constant 16 : i32
        %add3A_476 = arith.addi %mul3A_474, %add3A_475 : i32
        %swap3A_477 = arith.index_cast %add3A_476 : i32 to index
        %swap3A_478 = tpu.vector_load %arg8[%swap3A_477] {strides = array<i32>} : memref<256xi32, #tpu.memory_space<vmem>>, vector<16xi32>,
        %swap3A_479 = vector.shape_cast %swap3A_478 : vector<16xi32> to vector<16xi32>
        %swap3A_480 = vector.shape_cast %add3A_472 : vector<16xi32> to vector<16xi32>
        tpu.vector_store %arg8[%swap3A_477], %swap3A_480 {strides = array<i32>} : memref<256xi32, #tpu.memory_space<vmem>>, vector<16xi32>,
        %mul3A_481 = arith.constant 128 : i32
        %mul3A_482 = arith.muli %rem3A_391, %mul3A_481 : i32
        %add3A_483 = arith.constant 32 : i32
        %add3A_484 = arith.addi %mul3A_482, %add3A_483 : i32
        %get3A_485 = arith.index_cast %add3A_484 : i32 to index
        %get3A_486 = tpu.vector_load %arg6[%get3A_485] {strides = array<i32>} : memref<256xi32, #tpu.memory_space<vmem>>, vector<16xi32>,
        %get3A_487 = vector.shape_cast %get3A_486 : vector<16xi32> to vector<16xi32>
        %mul3A_488 = arith.constant 256 : i32
        %mul3A_489 = vector.broadcast %mul3A_488 : i32 to vector<16xi32>
        %mul3A_490 = arith.muli %get3A_487, %mul3A_489 : vector<16xi32>
        %mul3A_491 = arith.constant 2 : i32
        %mul3A_492 = arith.muli %mul3A_491, %div3A_398 : i32
        %add3A_493 = vector.broadcast %mul3A_492 : i32 to vector<16xi32>
        %add3A_494 = arith.addi %mul3A_490, %add3A_493 : vector<16xi32>
        %mul3A_495 = arith.constant 128 : i32
        %mul3A_496 = arith.muli %rem3A_391, %mul3A_495 : i32
        %add3A_497 = arith.constant 32 : i32
        %add3A_498 = arith.addi %mul3A_496, %add3A_497 : i32
        %swap3A_499 = arith.index_cast %add3A_498 : i32 to index
        %swap3A_500 = tpu.vector_load %arg7[%swap3A_499] {strides = array<i32>} : memref<256xi32, #tpu.memory_space<vmem>>, vector<16xi32>,
        %swap3A_501 = vector.shape_cast %swap3A_500 : vector<16xi32> to vector<16xi32>
        %swap3A_502 = vector.shape_cast %add3A_494 : vector<16xi32> to vector<16xi32>
        tpu.vector_store %arg7[%swap3A_499], %swap3A_502 {strides = array<i32>} : memref<256xi32, #tpu.memory_space<vmem>>, vector<16xi32>,
        %mul3A_503 = arith.constant 256 : i32
        %mul3A_504 = vector.broadcast %mul3A_503 : i32 to vector<16xi32>
        %mul3A_505 = arith.muli %get3A_487, %mul3A_504 : vector<16xi32>
        %mul3A_506 = arith.constant 2 : i32
        %mul3A_507 = arith.muli %mul3A_506, %div3A_398 : i32
        %add3A_508 = vector.broadcast %mul3A_507 : i32 to vector<16xi32>
        %add3A_509 = arith.addi %mul3A_505, %add3A_508 : vector<16xi32>
        %add3A_510 = arith.constant 1 : i32
        %add3A_511 = vector.broadcast %add3A_510 : i32 to vector<16xi32>
        %add3A_512 = arith.addi %add3A_509, %add3A_511 : vector<16xi32>
        %mul3A_513 = arith.constant 128 : i32
        %mul3A_514 = arith.muli %rem3A_391, %mul3A_513 : i32
        %add3A_515 = arith.constant 32 : i32
        %add3A_516 = arith.addi %mul3A_514, %add3A_515 : i32
        %swap3A_517 = arith.index_cast %add3A_516 : i32 to index
        %swap3A_518 = tpu.vector_load %arg8[%swap3A_517] {strides = array<i32>} : memref<256xi32, #tpu.memory_space<vmem>>, vector<16xi32>,
        %swap3A_519 = vector.shape_cast %swap3A_518 : vector<16xi32> to vector<16xi32>
        %swap3A_520 = vector.shape_cast %add3A_512 : vector<16xi32> to vector<16xi32>
        tpu.vector_store %arg8[%swap3A_517], %swap3A_520 {strides = array<i32>} : memref<256xi32, #tpu.memory_space<vmem>>, vector<16xi32>,
        %mul3A_521 = arith.constant 128 : i32
        %mul3A_522 = arith.muli %rem3A_391, %mul3A_521 : i32
        %add3A_523 = arith.constant 48 : i32
        %add3A_524 = arith.addi %mul3A_522, %add3A_523 : i32
        %get3A_525 = arith.index_cast %add3A_524 : i32 to index
        %get3A_526 = tpu.vector_load %arg6[%get3A_525] {strides = array<i32>} : memref<256xi32, #tpu.memory_space<vmem>>, vector<16xi32>,
        %get3A_527 = vector.shape_cast %get3A_526 : vector<16xi32> to vector<16xi32>
        %mul3A_528 = arith.constant 256 : i32
        %mul3A_529 = vector.broadcast %mul3A_528 : i32 to vector<16xi32>
        %mul3A_530 = arith.muli %get3A_527, %mul3A_529 : vector<16xi32>
        %mul3A_531 = arith.constant 2 : i32
        %mul3A_532 = arith.muli %mul3A_531, %div3A_398 : i32
        %add3A_533 = vector.broadcast %mul3A_532 : i32 to vector<16xi32>
        %add3A_534 = arith.addi %mul3A_530, %add3A_533 : vector<16xi32>
        %mul3A_535 = arith.constant 128 : i32
        %mul3A_536 = arith.muli %rem3A_391, %mul3A_535 : i32
        %add3A_537 = arith.constant 48 : i32
        %add3A_538 = arith.addi %mul3A_536, %add3A_537 : i32
        %swap3A_539 = arith.index_cast %add3A_538 : i32 to index
        %swap3A_540 = tpu.vector_load %arg7[%swap3A_539] {strides = array<i32>} : memref<256xi32, #tpu.memory_space<vmem>>, vector<16xi32>,
        %swap3A_541 = vector.shape_cast %swap3A_540 : vector<16xi32> to vector<16xi32>
        %swap3A_542 = vector.shape_cast %add3A_534 : vector<16xi32> to vector<16xi32>
        tpu.vector_store %arg7[%swap3A_539], %swap3A_542 {strides = array<i32>} : memref<256xi32, #tpu.memory_space<vmem>>, vector<16xi32>,
        %mul3A_543 = arith.constant 256 : i32
        %mul3A_544 = vector.broadcast %mul3A_543 : i32 to vector<16xi32>
        %mul3A_545 = arith.muli %get3A_527, %mul3A_544 : vector<16xi32>
        %mul3A_546 = arith.constant 2 : i32
        %mul3A_547 = arith.muli %mul3A_546, %div3A_398 : i32
        %add3A_548 = vector.broadcast %mul3A_547 : i32 to vector<16xi32>
        %add3A_549 = arith.addi %mul3A_545, %add3A_548 : vector<16xi32>
        %add3A_550 = arith.constant 1 : i32
        %add3A_551 = vector.broadcast %add3A_550 : i32 to vector<16xi32>
        %add3A_552 = arith.addi %add3A_549, %add3A_551 : vector<16xi32>
        %mul3A_553 = arith.constant 128 : i32
        %mul3A_554 = arith.muli %rem3A_391, %mul3A_553 : i32
        %add3A_555 = arith.constant 48 : i32
        %add3A_556 = arith.addi %mul3A_554, %add3A_555 : i32
        %swap3A_557 = arith.index_cast %add3A_556 : i32 to index
        %swap3A_558 = tpu.vector_load %arg8[%swap3A_557] {strides = array<i32>} : memref<256xi32, #tpu.memory_space<vmem>>, vector<16xi32>,
        %swap3A_559 = vector.shape_cast %swap3A_558 : vector<16xi32> to vector<16xi32>
        %swap3A_560 = vector.shape_cast %add3A_552 : vector<16xi32> to vector<16xi32>
        tpu.vector_store %arg8[%swap3A_557], %swap3A_560 {strides = array<i32>} : memref<256xi32, #tpu.memory_space<vmem>>, vector<16xi32>,
        %mul3A_561 = arith.constant 128 : i32
        %mul3A_562 = arith.muli %rem3A_391, %mul3A_561 : i32
        %add3A_563 = arith.constant 64 : i32
        %add3A_564 = arith.addi %mul3A_562, %add3A_563 : i32
        %get3A_565 = arith.index_cast %add3A_564 : i32 to index
        %get3A_566 = tpu.vector_load %arg6[%get3A_565] {strides = array<i32>} : memref<256xi32, #tpu.memory_space<vmem>>, vector<16xi32>,
        %get3A_567 = vector.shape_cast %get3A_566 : vector<16xi32> to vector<16xi32>
        %mul3A_568 = arith.constant 256 : i32
        %mul3A_569 = vector.broadcast %mul3A_568 : i32 to vector<16xi32>
        %mul3A_570 = arith.muli %get3A_567, %mul3A_569 : vector<16xi32>
        %mul3A_571 = arith.constant 2 : i32
        %mul3A_572 = arith.muli %mul3A_571, %div3A_398 : i32
        %add3A_573 = vector.broadcast %mul3A_572 : i32 to vector<16xi32>
        %add3A_574 = arith.addi %mul3A_570, %add3A_573 : vector<16xi32>
        %mul3A_575 = arith.constant 128 : i32
        %mul3A_576 = arith.muli %rem3A_391, %mul3A_575 : i32
        %add3A_577 = arith.constant 64 : i32
        %add3A_578 = arith.addi %mul3A_576, %add3A_577 : i32
        %swap3A_579 = arith.index_cast %add3A_578 : i32 to index
        %swap3A_580 = tpu.vector_load %arg7[%swap3A_579] {strides = array<i32>} : memref<256xi32, #tpu.memory_space<vmem>>, vector<16xi32>,
        %swap3A_581 = vector.shape_cast %swap3A_580 : vector<16xi32> to vector<16xi32>
        %swap3A_582 = vector.shape_cast %add3A_574 : vector<16xi32> to vector<16xi32>
        tpu.vector_store %arg7[%swap3A_579], %swap3A_582 {strides = array<i32>} : memref<256xi32, #tpu.memory_space<vmem>>, vector<16xi32>,
        %mul3A_583 = arith.constant 256 : i32
        %mul3A_584 = vector.broadcast %mul3A_583 : i32 to vector<16xi32>
        %mul3A_585 = arith.muli %get3A_567, %mul3A_584 : vector<16xi32>
        %mul3A_586 = arith.constant 2 : i32
        %mul3A_587 = arith.muli %mul3A_586, %div3A_398 : i32
        %add3A_588 = vector.broadcast %mul3A_587 : i32 to vector<16xi32>
        %add3A_589 = arith.addi %mul3A_585, %add3A_588 : vector<16xi32>
        %add3A_590 = arith.constant 1 : i32
        %add3A_591 = vector.broadcast %add3A_590 : i32 to vector<16xi32>
        %add3A_592 = arith.addi %add3A_589, %add3A_591 : vector<16xi32>
        %mul3A_593 = arith.constant 128 : i32
        %mul3A_594 = arith.muli %rem3A_391, %mul3A_593 : i32
        %add3A_595 = arith.constant 64 : i32
        %add3A_596 = arith.addi %mul3A_594, %add3A_595 : i32
        %swap3A_597 = arith.index_cast %add3A_596 : i32 to index
        %swap3A_598 = tpu.vector_load %arg8[%swap3A_597] {strides = array<i32>} : memref<256xi32, #tpu.memory_space<vmem>>, vector<16xi32>,
        %swap3A_599 = vector.shape_cast %swap3A_598 : vector<16xi32> to vector<16xi32>
        %swap3A_600 = vector.shape_cast %add3A_592 : vector<16xi32> to vector<16xi32>
        tpu.vector_store %arg8[%swap3A_597], %swap3A_600 {strides = array<i32>} : memref<256xi32, #tpu.memory_space<vmem>>, vector<16xi32>,
        %mul3A_601 = arith.constant 128 : i32
        %mul3A_602 = arith.muli %rem3A_391, %mul3A_601 : i32
        %add3A_603 = arith.constant 80 : i32
        %add3A_604 = arith.addi %mul3A_602, %add3A_603 : i32
        %get3A_605 = arith.index_cast %add3A_604 : i32 to index
        %get3A_606 = tpu.vector_load %arg6[%get3A_605] {strides = array<i32>} : memref<256xi32, #tpu.memory_space<vmem>>, vector<16xi32>,
        %get3A_607 = vector.shape_cast %get3A_606 : vector<16xi32> to vector<16xi32>
        %mul3A_608 = arith.constant 256 : i32
        %mul3A_609 = vector.broadcast %mul3A_608 : i32 to vector<16xi32>
        %mul3A_610 = arith.muli %get3A_607, %mul3A_609 : vector<16xi32>
        %mul3A_611 = arith.constant 2 : i32
        %mul3A_612 = arith.muli %mul3A_611, %div3A_398 : i32
        %add3A_613 = vector.broadcast %mul3A_612 : i32 to vector<16xi32>
        %add3A_614 = arith.addi %mul3A_610, %add3A_613 : vector<16xi32>
        %mul3A_615 = arith.constant 128 : i32
        %mul3A_616 = arith.muli %rem3A_391, %mul3A_615 : i32
        %add3A_617 = arith.constant 80 : i32
        %add3A_618 = arith.addi %mul3A_616, %add3A_617 : i32
        %swap3A_619 = arith.index_cast %add3A_618 : i32 to index
        %swap3A_620 = tpu.vector_load %arg7[%swap3A_619] {strides = array<i32>} : memref<256xi32, #tpu.memory_space<vmem>>, vector<16xi32>,
        %swap3A_621 = vector.shape_cast %swap3A_620 : vector<16xi32> to vector<16xi32>
        %swap3A_622 = vector.shape_cast %add3A_614 : vector<16xi32> to vector<16xi32>
        tpu.vector_store %arg7[%swap3A_619], %swap3A_622 {strides = array<i32>} : memref<256xi32, #tpu.memory_space<vmem>>, vector<16xi32>,
        %mul3A_623 = arith.constant 256 : i32
        %mul3A_624 = vector.broadcast %mul3A_623 : i32 to vector<16xi32>
        %mul3A_625 = arith.muli %get3A_607, %mul3A_624 : vector<16xi32>
        %mul3A_626 = arith.constant 2 : i32
        %mul3A_627 = arith.muli %mul3A_626, %div3A_398 : i32
        %add3A_628 = vector.broadcast %mul3A_627 : i32 to vector<16xi32>
        %add3A_629 = arith.addi %mul3A_625, %add3A_628 : vector<16xi32>
        %add3A_630 = arith.constant 1 : i32
        %add3A_631 = vector.broadcast %add3A_630 : i32 to vector<16xi32>
        %add3A_632 = arith.addi %add3A_629, %add3A_631 : vector<16xi32>
        %mul3A_633 = arith.constant 128 : i32
        %mul3A_634 = arith.muli %rem3A_391, %mul3A_633 : i32
        %add3A_635 = arith.constant 80 : i32
        %add3A_636 = arith.addi %mul3A_634, %add3A_635 : i32
        %swap3A_637 = arith.index_cast %add3A_636 : i32 to index
        %swap3A_638 = tpu.vector_load %arg8[%swap3A_637] {strides = array<i32>} : memref<256xi32, #tpu.memory_space<vmem>>, vector<16xi32>,
        %swap3A_639 = vector.shape_cast %swap3A_638 : vector<16xi32> to vector<16xi32>
        %swap3A_640 = vector.shape_cast %add3A_632 : vector<16xi32> to vector<16xi32>
        tpu.vector_store %arg8[%swap3A_637], %swap3A_640 {strides = array<i32>} : memref<256xi32, #tpu.memory_space<vmem>>, vector<16xi32>,
        %mul3A_641 = arith.constant 128 : i32
        %mul3A_642 = arith.muli %rem3A_391, %mul3A_641 : i32
        %add3A_643 = arith.constant 96 : i32
        %add3A_644 = arith.addi %mul3A_642, %add3A_643 : i32
        %get3A_645 = arith.index_cast %add3A_644 : i32 to index
        %get3A_646 = tpu.vector_load %arg6[%get3A_645] {strides = array<i32>} : memref<256xi32, #tpu.memory_space<vmem>>, vector<16xi32>,
        %get3A_647 = vector.shape_cast %get3A_646 : vector<16xi32> to vector<16xi32>
        %mul3A_648 = arith.constant 256 : i32
        %mul3A_649 = vector.broadcast %mul3A_648 : i32 to vector<16xi32>
        %mul3A_650 = arith.muli %get3A_647, %mul3A_649 : vector<16xi32>
        %mul3A_651 = arith.constant 2 : i32
        %mul3A_652 = arith.muli %mul3A_651, %div3A_398 : i32
        %add3A_653 = vector.broadcast %mul3A_652 : i32 to vector<16xi32>
        %add3A_654 = arith.addi %mul3A_650, %add3A_653 : vector<16xi32>
        %mul3A_655 = arith.constant 128 : i32
        %mul3A_656 = arith.muli %rem3A_391, %mul3A_655 : i32
        %add3A_657 = arith.constant 96 : i32
        %add3A_658 = arith.addi %mul3A_656, %add3A_657 : i32
        %swap3A_659 = arith.index_cast %add3A_658 : i32 to index
        %swap3A_660 = tpu.vector_load %arg7[%swap3A_659] {strides = array<i32>} : memref<256xi32, #tpu.memory_space<vmem>>, vector<16xi32>,
        %swap3A_661 = vector.shape_cast %swap3A_660 : vector<16xi32> to vector<16xi32>
        %swap3A_662 = vector.shape_cast %add3A_654 : vector<16xi32> to vector<16xi32>
        tpu.vector_store %arg7[%swap3A_659], %swap3A_662 {strides = array<i32>} : memref<256xi32, #tpu.memory_space<vmem>>, vector<16xi32>,
        %mul3A_663 = arith.constant 256 : i32
        %mul3A_664 = vector.broadcast %mul3A_663 : i32 to vector<16xi32>
        %mul3A_665 = arith.muli %get3A_647, %mul3A_664 : vector<16xi32>
        %mul3A_666 = arith.constant 2 : i32
        %mul3A_667 = arith.muli %mul3A_666, %div3A_398 : i32
        %add3A_668 = vector.broadcast %mul3A_667 : i32 to vector<16xi32>
        %add3A_669 = arith.addi %mul3A_665, %add3A_668 : vector<16xi32>
        %add3A_670 = arith.constant 1 : i32
        %add3A_671 = vector.broadcast %add3A_670 : i32 to vector<16xi32>
        %add3A_672 = arith.addi %add3A_669, %add3A_671 : vector<16xi32>
        %mul3A_673 = arith.constant 128 : i32
        %mul3A_674 = arith.muli %rem3A_391, %mul3A_673 : i32
        %add3A_675 = arith.constant 96 : i32
        %add3A_676 = arith.addi %mul3A_674, %add3A_675 : i32
        %swap3A_677 = arith.index_cast %add3A_676 : i32 to index
        %swap3A_678 = tpu.vector_load %arg8[%swap3A_677] {strides = array<i32>} : memref<256xi32, #tpu.memory_space<vmem>>, vector<16xi32>,
        %swap3A_679 = vector.shape_cast %swap3A_678 : vector<16xi32> to vector<16xi32>
        %swap3A_680 = vector.shape_cast %add3A_672 : vector<16xi32> to vector<16xi32>
        tpu.vector_store %arg8[%swap3A_677], %swap3A_680 {strides = array<i32>} : memref<256xi32, #tpu.memory_space<vmem>>, vector<16xi32>,
        %mul3A_681 = arith.constant 128 : i32
        %mul3A_682 = arith.muli %rem3A_391, %mul3A_681 : i32
        %add3A_683 = arith.constant 112 : i32
        %add3A_684 = arith.addi %mul3A_682, %add3A_683 : i32
        %get3A_685 = arith.index_cast %add3A_684 : i32 to index
        %get3A_686 = tpu.vector_load %arg6[%get3A_685] {strides = array<i32>} : memref<256xi32, #tpu.memory_space<vmem>>, vector<16xi32>,
        %get3A_687 = vector.shape_cast %get3A_686 : vector<16xi32> to vector<16xi32>
        %mul3A_688 = arith.constant 256 : i32
        %mul3A_689 = vector.broadcast %mul3A_688 : i32 to vector<16xi32>
        %mul3A_690 = arith.muli %get3A_687, %mul3A_689 : vector<16xi32>
        %mul3A_691 = arith.constant 2 : i32
        %mul3A_692 = arith.muli %mul3A_691, %div3A_398 : i32
        %add3A_693 = vector.broadcast %mul3A_692 : i32 to vector<16xi32>
        %add3A_694 = arith.addi %mul3A_690, %add3A_693 : vector<16xi32>
        %mul3A_695 = arith.constant 128 : i32
        %mul3A_696 = arith.muli %rem3A_391, %mul3A_695 : i32
        %add3A_697 = arith.constant 112 : i32
        %add3A_698 = arith.addi %mul3A_696, %add3A_697 : i32
        %swap3A_699 = arith.index_cast %add3A_698 : i32 to index
        %swap3A_700 = tpu.vector_load %arg7[%swap3A_699] {strides = array<i32>} : memref<256xi32, #tpu.memory_space<vmem>>, vector<16xi32>,
        %swap3A_701 = vector.shape_cast %swap3A_700 : vector<16xi32> to vector<16xi32>
        %swap3A_702 = vector.shape_cast %add3A_694 : vector<16xi32> to vector<16xi32>
        tpu.vector_store %arg7[%swap3A_699], %swap3A_702 {strides = array<i32>} : memref<256xi32, #tpu.memory_space<vmem>>, vector<16xi32>,
        %mul3A_703 = arith.constant 256 : i32
        %mul3A_704 = vector.broadcast %mul3A_703 : i32 to vector<16xi32>
        %mul3A_705 = arith.muli %get3A_687, %mul3A_704 : vector<16xi32>
        %mul3A_706 = arith.constant 2 : i32
        %mul3A_707 = arith.muli %mul3A_706, %div3A_398 : i32
        %add3A_708 = vector.broadcast %mul3A_707 : i32 to vector<16xi32>
        %add3A_709 = arith.addi %mul3A_705, %add3A_708 : vector<16xi32>
        %add3A_710 = arith.constant 1 : i32
        %add3A_711 = vector.broadcast %add3A_710 : i32 to vector<16xi32>
        %add3A_712 = arith.addi %add3A_709, %add3A_711 : vector<16xi32>
        %mul3A_713 = arith.constant 128 : i32
        %mul3A_714 = arith.muli %rem3A_391, %mul3A_713 : i32
        %add3A_715 = arith.constant 112 : i32
        %add3A_716 = arith.addi %mul3A_714, %add3A_715 : i32
        %swap3A_717 = arith.index_cast %add3A_716 : i32 to index
        %swap3A_718 = tpu.vector_load %arg8[%swap3A_717] {strides = array<i32>} : memref<256xi32, #tpu.memory_space<vmem>>, vector<16xi32>,
        %swap3A_719 = vector.shape_cast %swap3A_718 : vector<16xi32> to vector<16xi32>
        %swap3A_720 = vector.shape_cast %add3A_712 : vector<16xi32> to vector<16xi32>
        tpu.vector_store %arg8[%swap3A_717], %swap3A_720 {strides = array<i32>} : memref<256xi32, #tpu.memory_space<vmem>>, vector<16xi32>,
        %mul3A_721 = arith.constant 128 : i32
        %mul3A_722 = arith.muli %rem3A_391, %mul3A_721 : i32
        %mul3A_723 = arith.constant 128 : i32
        %mul3A_724 = arith.muli %rem3A_391, %mul3A_723 : i32
        %dma_start3A_725 = tpu.memref_slice %arg9[%mul3A_724] : memref<256xf32, #tpu.memory_space<vmem>> -> memref<128xf32, #tpu.memory_space<vmem>>
        %dma_start3A_726 = tpu.memref_slice %arg7[%mul3A_722] : memref<256xi32, #tpu.memory_space<vmem>> -> memref<128xi32, #tpu.memory_space<vmem>>
        %dma_start3A_727 = arith.constant 0 : i32
        %dma_start3A_728 = tpu.memref_slice %arg2[%dma_start3A_727] : memref<25600000xf32, #tpu.memory_space<hbm>> -> memref<25600000xf32, #tpu.memory_space<hbm>>
        %dma_start3A_729 = tpu.memref_slice %arg11[%rem3A_391] : memref<2x!tpu.dma_semaphore, #tpu.memory_space<semaphore_mem>> -> memref<1x!tpu.dma_semaphore, #tpu.memory_space<semaphore_mem>>
        %dma_start3A_730 = tpu.memref_squeeze %dma_start3A_729 : memref<1x!tpu.dma_semaphore, #tpu.memory_space<semaphore_mem>> -> memref<!tpu.dma_semaphore, #tpu.memory_space<semaphore_mem>>
        tpu.enqueue_indirect_dma source(%dma_start3A_728 : memref<25600000xf32, #tpu.memory_space<hbm>>) target(%dma_start3A_725 : memref<128xf32, #tpu.memory_space<vmem>>) offsets(%dma_start3A_726 : memref<128xi32, #tpu.memory_space<vmem>>) semaphore(%dma_start3A_730 : memref<!tpu.dma_semaphore, #tpu.memory_space<semaphore_mem>>)
        %mul3A_731 = arith.constant 128 : i32
        %mul3A_732 = arith.muli %rem3A_391, %mul3A_731 : i32
        %mul3A_733 = arith.constant 128 : i32
        %mul3A_734 = arith.muli %rem3A_391, %mul3A_733 : i32
        %dma_start3A_735 = tpu.memref_slice %arg10[%mul3A_734] : memref<256xf32, #tpu.memory_space<vmem>> -> memref<128xf32, #tpu.memory_space<vmem>>
        %dma_start3A_736 = tpu.memref_slice %arg8[%mul3A_732] : memref<256xi32, #tpu.memory_space<vmem>> -> memref<128xi32, #tpu.memory_space<vmem>>
        %dma_start3A_737 = arith.constant 0 : i32
        %dma_start3A_738 = tpu.memref_slice %arg2[%dma_start3A_737] : memref<25600000xf32, #tpu.memory_space<hbm>> -> memref<25600000xf32, #tpu.memory_space<hbm>>
        %dma_start3A_739 = tpu.memref_slice %arg12[%rem3A_391] : memref<2x!tpu.dma_semaphore, #tpu.memory_space<semaphore_mem>> -> memref<1x!tpu.dma_semaphore, #tpu.memory_space<semaphore_mem>>
        %dma_start3A_740 = tpu.memref_squeeze %dma_start3A_739 : memref<1x!tpu.dma_semaphore, #tpu.memory_space<semaphore_mem>> -> memref<!tpu.dma_semaphore, #tpu.memory_space<semaphore_mem>>
        tpu.enqueue_indirect_dma source(%dma_start3A_738 : memref<25600000xf32, #tpu.memory_space<hbm>>) target(%dma_start3A_735 : memref<128xf32, #tpu.memory_space<vmem>>) offsets(%dma_start3A_736 : memref<128xi32, #tpu.memory_space<vmem>>) semaphore(%dma_start3A_740 : memref<!tpu.dma_semaphore, #tpu.memory_space<semaphore_mem>>)
      } else {
      }
      %rem3A_359 = arith.constant 2 : i32
      %rem3A_360 = arith.remsi %scan3A_356, %rem3A_359 : i32
      %add3A_361 = arith.addi %mul3A_2, %scan3A_356 : i32
      %mul3A_362 = arith.constant 128 : i32
      %mul3A_363 = arith.muli %add3A_361, %mul3A_362 : i32
      %multiple_of3A_364 = tpu.assume_multiple %mul3A_363, 128 : i32
      %mul3A_365 = arith.constant 128 : i32
      %mul3A_366 = arith.muli %rem3A_360, %mul3A_365 : i32
      %dma_wait3A = tpu.memref_slice %arg9[%mul3A_366] : memref<256xf32, #tpu.memory_space<vmem>> -> memref<128xf32, #tpu.memory_space<vmem>>
      %dma_wait3A_367 = arith.constant 0 : i32
      %dma_wait3A_368 = tpu.memref_slice %arg2[%dma_wait3A_367] : memref<25600000xf32, #tpu.memory_space<hbm>> -> memref<128xf32, #tpu.memory_space<hbm>>
      %dma_wait3A_369 = tpu.memref_slice %arg11[%rem3A_360] : memref<2x!tpu.dma_semaphore, #tpu.memory_space<semaphore_mem>> -> memref<1x!tpu.dma_semaphore, #tpu.memory_space<semaphore_mem>>
      %dma_wait3A_370 = tpu.memref_squeeze %dma_wait3A_369 : memref<1x!tpu.dma_semaphore, #tpu.memory_space<semaphore_mem>> -> memref<!tpu.dma_semaphore, #tpu.memory_space<semaphore_mem>>
      %dma_wait3A_371 = tpu.memref_slice %arg9[%mul3A_366] : memref<256xf32, #tpu.memory_space<vmem>> -> memref<128xf32, #tpu.memory_space<vmem>>
      %dma_wait3A_372 = arith.constant 0 : i32
      %dma_wait3A_373 = tpu.memref_slice %arg2[%dma_wait3A_372] : memref<25600000xf32, #tpu.memory_space<hbm>> -> memref<128xf32, #tpu.memory_space<hbm>>
      tpu.wait_dma2 semaphore(%dma_wait3A_370 : memref<!tpu.dma_semaphore, #tpu.memory_space<semaphore_mem>>) src(%dma_wait3A_373 : memref<128xf32, #tpu.memory_space<hbm>>) dst(%dma_wait3A_371 : memref<128xf32, #tpu.memory_space<vmem>>)
      %mul3A_374 = arith.constant 128 : i32
      %mul3A_375 = arith.muli %rem3A_360, %mul3A_374 : i32
      %dma_wait3A_376 = tpu.memref_slice %arg10[%mul3A_375] : memref<256xf32, #tpu.memory_space<vmem>> -> memref<128xf32, #tpu.memory_space<vmem>>
      %dma_wait3A_377 = arith.constant 0 : i32
      %dma_wait3A_378 = tpu.memref_slice %arg2[%dma_wait3A_377] : memref<25600000xf32, #tpu.memory_space<hbm>> -> memref<128xf32, #tpu.memory_space<hbm>>
      %dma_wait3A_379 = tpu.memref_slice %arg12[%rem3A_360] : memref<2x!tpu.dma_semaphore, #tpu.memory_space<semaphore_mem>> -> memref<1x!tpu.dma_semaphore, #tpu.memory_space<semaphore_mem>>
      %dma_wait3A_380 = tpu.memref_squeeze %dma_wait3A_379 : memref<1x!tpu.dma_semaphore, #tpu.memory_space<semaphore_mem>> -> memref<!tpu.dma_semaphore, #tpu.memory_space<semaphore_mem>>
      %dma_wait3A_381 = tpu.memref_slice %arg10[%mul3A_375] : memref<256xf32, #tpu.memory_space<vmem>> -> memref<128xf32, #tpu.memory_space<vmem>>
      %dma_wait3A_382 = arith.constant 0 : i32
      %dma_wait3A_383 = tpu.memref_slice %arg2[%dma_wait3A_382] : memref<25600000xf32, #tpu.memory_space<hbm>> -> memref<128xf32, #tpu.memory_space<hbm>>
      tpu.wait_dma2 semaphore(%dma_wait3A_380 : memref<!tpu.dma_semaphore, #tpu.memory_space<semaphore_mem>>) src(%dma_wait3A_383 : memref<128xf32, #tpu.memory_space<hbm>>) dst(%dma_wait3A_381 : memref<128xf32, #tpu.memory_space<vmem>>)
      %mul3A_384 = arith.constant 128 : i32
      %mul3A_385 = arith.muli %rem3A_360, %mul3A_384 : i32
      "tpu.region"() ({
        %run_scoped3A = tpu.sem_alloc : memref<!tpu.dma_semaphore, #tpu.memory_space<semaphore_mem>>
        %dma_start3A_388 = tpu.memref_slice %arg9[%mul3A_385] : memref<256xf32, #tpu.memory_space<vmem>> -> memref<128xf32, #tpu.memory_space<vmem>>
        %dma_start3A_389 = tpu.memref_slice %arg4[%multiple_of3A_364] : memref<262144xf32, #tpu.memory_space<hbm>> -> memref<128xf32, #tpu.memory_space<hbm>>
        %dma_start3A_390 = tpu.memref_slice %arg4[%multiple_of3A_364] : memref<262144xf32, #tpu.memory_space<hbm>> -> memref<128xf32, #tpu.memory_space<hbm>>
        %dma_start3A_391 = tpu.memref_slice %arg9[%mul3A_385] : memref<256xf32, #tpu.memory_space<vmem>> -> memref<128xf32, #tpu.memory_space<vmem>>
        tpu.enqueue_dma source(%dma_start3A_391 : memref<128xf32, #tpu.memory_space<vmem>>) target(%dma_start3A_390 : memref<128xf32, #tpu.memory_space<hbm>>) target_semaphore(%run_scoped3A : memref<!tpu.dma_semaphore, #tpu.memory_space<semaphore_mem>>)
        %dma_wait3A_392 = tpu.memref_slice %arg9[%mul3A_385] : memref<256xf32, #tpu.memory_space<vmem>> -> memref<128xf32, #tpu.memory_space<vmem>>
        %dma_wait3A_393 = tpu.memref_slice %arg4[%multiple_of3A_364] : memref<262144xf32, #tpu.memory_space<hbm>> -> memref<128xf32, #tpu.memory_space<hbm>>
        %dma_wait3A_394 = tpu.memref_slice %arg4[%multiple_of3A_364] : memref<262144xf32, #tpu.memory_space<hbm>> -> memref<128xf32, #tpu.memory_space<hbm>>
        %dma_wait3A_395 = tpu.memref_slice %arg9[%mul3A_385] : memref<256xf32, #tpu.memory_space<vmem>> -> memref<128xf32, #tpu.memory_space<vmem>>
        tpu.wait_dma2 semaphore(%run_scoped3A : memref<!tpu.dma_semaphore, #tpu.memory_space<semaphore_mem>>) src(%dma_wait3A_395 : memref<128xf32, #tpu.memory_space<vmem>>) dst(%dma_wait3A_394 : memref<128xf32, #tpu.memory_space<hbm>>)
        tpu.yield
      }) : () -> ()
      %mul3A_386 = arith.constant 128 : i32
      %mul3A_387 = arith.muli %rem3A_360, %mul3A_386 : i32
      "tpu.region"() ({
        %run_scoped3A = tpu.sem_alloc : memref<!tpu.dma_semaphore, #tpu.memory_space<semaphore_mem>>
        %dma_start3A_388 = tpu.memref_slice %arg10[%mul3A_387] : memref<256xf32, #tpu.memory_space<vmem>> -> memref<128xf32, #tpu.memory_space<vmem>>
        %dma_start3A_389 = tpu.memref_slice %arg5[%multiple_of3A_364] : memref<262144xf32, #tpu.memory_space<hbm>> -> memref<128xf32, #tpu.memory_space<hbm>>
        %dma_start3A_390 = tpu.memref_slice %arg5[%multiple_of3A_364] : memref<262144xf32, #tpu.memory_space<hbm>> -> memref<128xf32, #tpu.memory_space<hbm>>
        %dma_start3A_391 = tpu.memref_slice %arg10[%mul3A_387] : memref<256xf32, #tpu.memory_space<vmem>> -> memref<128xf32, #tpu.memory_space<vmem>>
        tpu.enqueue_dma source(%dma_start3A_391 : memref<128xf32, #tpu.memory_space<vmem>>) target(%dma_start3A_390 : memref<128xf32, #tpu.memory_space<hbm>>) target_semaphore(%run_scoped3A : memref<!tpu.dma_semaphore, #tpu.memory_space<semaphore_mem>>)
        %dma_wait3A_392 = tpu.memref_slice %arg10[%mul3A_387] : memref<256xf32, #tpu.memory_space<vmem>> -> memref<128xf32, #tpu.memory_space<vmem>>
        %dma_wait3A_393 = tpu.memref_slice %arg5[%multiple_of3A_364] : memref<262144xf32, #tpu.memory_space<hbm>> -> memref<128xf32, #tpu.memory_space<hbm>>
        %dma_wait3A_394 = tpu.memref_slice %arg5[%multiple_of3A_364] : memref<262144xf32, #tpu.memory_space<hbm>> -> memref<128xf32, #tpu.memory_space<hbm>>
        %dma_wait3A_395 = tpu.memref_slice %arg10[%mul3A_387] : memref<256xf32, #tpu.memory_space<vmem>> -> memref<128xf32, #tpu.memory_space<vmem>>
        tpu.wait_dma2 semaphore(%run_scoped3A : memref<!tpu.dma_semaphore, #tpu.memory_space<semaphore_mem>>) src(%dma_wait3A_395 : memref<128xf32, #tpu.memory_space<vmem>>) dst(%dma_wait3A_394 : memref<128xf32, #tpu.memory_space<hbm>>)
        tpu.yield
      }) : () -> ()
    }
    %scan3A_355 = arith.constant 64 : i32
    return
  }
}

module attributes {stable_mosaic.version = 14 : i64} {
  func.func @_tcd_body(%arg0: i32, %arg1: memref<256x128xf32, #tpu.memory_space<vmem>>, %arg2: memref<4096x128xf32, #tpu.memory_space<vmem>>, %arg3: memref<256x128xf32, #tpu.memory_space<vmem>>, %arg4: memref<1x128xf32, #tpu.memory_space<vmem>>, %arg5: memref<4096x256xf32, #tpu.memory_space<vmem>>) attributes {dimension_semantics = [#tpu.dimension_semantics<arbitrary>], iteration_bounds = array<i64: 25>, scalar_prefetch = 0 : i64, scratch_operands = 0 : i64, tpu.core_type = #tpu.core_type<tc>, window_params = [{pipeline_mode = #tpu.pipeline_mode<synchronous>, transform_indices = @transform_0, window_bounds = array<i64: 256, 128>}, {transform_indices = @transform_1, window_bounds = array<i64: 4096, 128>}, {pipeline_mode = #tpu.pipeline_mode<synchronous>, transform_indices = @transform_2, window_bounds = array<i64: 256, 128>}, {pipeline_mode = #tpu.pipeline_mode<synchronous>, transform_indices = @transform_3, window_bounds = array<i64: 1, 128>}, {transform_indices = @transform_4, window_bounds = array<i64: 4096, 256>}]} {
    %get3A = arith.constant 0 : index
    %get3A_0 = arith.constant 0 : index
    %get3A_1 = vector.load %arg2[%get3A, %get3A_0] : memref<4096x128xf32, #tpu.memory_space<vmem>>, vector<4096x128xf32>
    %get3A_2 = arith.constant 0 : index
    %get3A_3 = arith.constant 0 : index
    %get3A_4 = vector.load %arg1[%get3A_2, %get3A_3] : memref<256x128xf32, #tpu.memory_space<vmem>>, vector<256x128xf32>
    %dot_general3A = arith.constant dense<0.000000e+00> : vector<4096x256xf32>
    %dot_general3A_5 = tpu.matmul %get3A_1, %get3A_4, %dot_general3A {dimension_numbers = #tpu.dot_dimension_numbers<[1], [1], [0], [0], [0, 0, 1, 0], [], []>, transpose_lhs_hint = false} : vector<4096x128xf32>, vector<256x128xf32>, vector<4096x256xf32> -> vector<4096x256xf32>
    %mul3A = arith.constant 4096 : i32
    %mul3A_6 = arith.muli %arg0, %mul3A : i32
    %convert_element_type3A = arith.sitofp %mul3A_6 : i32 to f32
    %iota3A = tpu.iota {dimensions = array<i32: 0>} : vector<4096x1xi32>
    %convert_element_type3A_7 = arith.sitofp %iota3A : vector<4096x1xi32> to vector<4096x1xf32>
    %add3A = vector.broadcast %convert_element_type3A : f32 to vector<4096x1xf32>
    %add3A_8 = arith.addf %add3A, %convert_element_type3A_7 : vector<4096x1xf32>
    %get3A_9 = arith.constant 0 : index
    %get3A_10 = arith.constant 0 : index
    %get3A_11 = vector.load %arg4[%get3A_9, %get3A_10] : memref<1x128xf32, #tpu.memory_space<vmem>>, vector<1x128xf32>
    %eq3A = vector.broadcast %add3A_8 : vector<4096x1xf32> to vector<4096x128xf32>
    %eq3A_12 = vector.broadcast %get3A_11 : vector<1x128xf32> to vector<4096x128xf32>
    %eq3A_13 = arith.cmpf oeq, %eq3A, %eq3A_12 : vector<4096x128xf32>
    %convert_element_type3A_14 = arith.extui %eq3A_13 : vector<4096x128xi1> to vector<4096x128xi32>
    %convert_element_type3A_15 = arith.sitofp %convert_element_type3A_14 : vector<4096x128xi32> to vector<4096x128xf32>
    %get3A_16 = arith.constant 0 : index
    %get3A_17 = arith.constant 0 : index
    %get3A_18 = vector.load %arg3[%get3A_16, %get3A_17] : memref<256x128xf32, #tpu.memory_space<vmem>>, vector<256x128xf32>
    %dot_general3A_19 = arith.constant dense<0.000000e+00> : vector<4096x256xf32>
    %dot_general3A_20 = tpu.matmul %convert_element_type3A_15, %get3A_18, %dot_general3A_19 {dimension_numbers = #tpu.dot_dimension_numbers<[1], [1], [0], [0], [0, 0, 1, 0], [], []>, transpose_lhs_hint = false} : vector<4096x128xf32>, vector<256x128xf32>, vector<4096x256xf32> -> vector<4096x256xf32>
    %add3A_21 = arith.addf %dot_general3A_5, %dot_general3A_20 : vector<4096x256xf32>
    %swap3A = arith.constant 0 : index
    %swap3A_22 = arith.constant 0 : index
    %swap3A_23 = vector.load %arg5[%swap3A, %swap3A_22] : memref<4096x256xf32, #tpu.memory_space<vmem>>, vector<4096x256xf32>
    tpu.vector_store %arg5[%swap3A, %swap3A_22], %add3A_21 {strides = array<i32>} : memref<4096x256xf32, #tpu.memory_space<vmem>>, vector<4096x256xf32>,
    return
  }
  func.func @transform_0(%arg0: i32) -> (i32, i32) {
    %c0_i32 = arith.constant 0 : i32
    %c0_i32_0 = arith.constant 0 : i32
    %c0_i32_1 = arith.constant 0 : i32
    return %c0_i32, %c0_i32_0 : i32, i32
  }
  func.func @transform_1(%arg0: i32) -> (i32, i32) {
    %c0_i32 = arith.constant 0 : i32
    %c0_i32_0 = arith.constant 0 : i32
    return %arg0, %c0_i32 : i32, i32
  }
  func.func @transform_2(%arg0: i32) -> (i32, i32) {
    %c0_i32 = arith.constant 0 : i32
    %c0_i32_0 = arith.constant 0 : i32
    %c0_i32_1 = arith.constant 0 : i32
    return %c0_i32, %c0_i32_0 : i32, i32
  }
  func.func @transform_3(%arg0: i32) -> (i32, i32) {
    %c0_i32 = arith.constant 0 : i32
    %c0_i32_0 = arith.constant 0 : i32
    %c0_i32_1 = arith.constant 0 : i32
    return %c0_i32, %c0_i32_0 : i32, i32
  }
  func.func @transform_4(%arg0: i32) -> (i32, i32) {
    %c0_i32 = arith.constant 0 : i32
    %c0_i32_0 = arith.constant 0 : i32
    return %arg0, %c0_i32 : i32, i32
  }
}

module attributes {stable_mosaic.version = 14 : i64} {
  func.func @_tca_body(%arg0: memref<256x2048xf32, #tpu.memory_space<vmem>>, %arg1: memref<256x2048xf32, #tpu.memory_space<vmem>>, %arg2: memref<128x2048xf32, #tpu.memory_space<vmem>>, %arg3: memref<1x128xf32, #tpu.memory_space<vmem>>, %arg4: memref<128x2048xf32, #tpu.memory_space<vmem>>, %arg5: memref<1x128xf32, #tpu.memory_space<vmem>>, %arg6: memref<128x128xf32, #tpu.memory_space<vmem>>, %arg7: memref<1x128xf32, #tpu.memory_space<vmem>>, %arg8: memref<128x1xf32, #tpu.memory_space<vmem>>, %arg9: memref<256x128xf32, #tpu.memory_space<vmem>>, %arg10: memref<256x128xf32, #tpu.memory_space<vmem>>, %arg11: memref<1x128xf32, #tpu.memory_space<vmem>>) attributes {dimension_semantics = [], scalar_prefetch = 0 : i64, scratch_operands = 0 : i64, tpu.core_type = #tpu.core_type<tc>} {
    %get3A = arith.constant 0 : index
    %get3A_0 = arith.constant 0 : index
    %get3A_1 = vector.load %arg0[%get3A, %get3A_0] : memref<256x2048xf32, #tpu.memory_space<vmem>>, vector<256x2048xf32>
    %get3A_2 = arith.constant 0 : index
    %get3A_3 = arith.constant 0 : index
    %get3A_4 = vector.load %arg1[%get3A_2, %get3A_3] : memref<256x2048xf32, #tpu.memory_space<vmem>>, vector<256x2048xf32>
    %get3A_5 = arith.constant 0 : index
    %get3A_6 = arith.constant 0 : index
    %get3A_7 = vector.load %arg2[%get3A_5, %get3A_6] : memref<128x2048xf32, #tpu.memory_space<vmem>>, vector<128x2048xf32>
    %dot_general3A = arith.constant dense<0.000000e+00> : vector<256x128xf32>
    %dot_general3A_8 = tpu.matmul %get3A_1, %get3A_7, %dot_general3A {dimension_numbers = #tpu.dot_dimension_numbers<[1], [1], [0], [0], [0, 0, 1, 0], [], []>, transpose_lhs_hint = false} : vector<256x2048xf32>, vector<128x2048xf32>, vector<256x128xf32> -> vector<256x128xf32>
    %get3A_9 = arith.constant 0 : index
    %get3A_10 = arith.constant 0 : index
    %get3A_11 = vector.load %arg3[%get3A_9, %get3A_10] : memref<1x128xf32, #tpu.memory_space<vmem>>, vector<1x128xf32>
    %add3A = vector.broadcast %get3A_11 : vector<1x128xf32> to vector<256x128xf32>
    %add3A_12 = arith.addf %dot_general3A_8, %add3A : vector<256x128xf32>
    %get3A_13 = arith.constant 0 : index
    %get3A_14 = arith.constant 0 : index
    %get3A_15 = vector.load %arg4[%get3A_13, %get3A_14] : memref<128x2048xf32, #tpu.memory_space<vmem>>, vector<128x2048xf32>
    %dot_general3A_16 = arith.constant dense<0.000000e+00> : vector<256x128xf32>
    %dot_general3A_17 = tpu.matmul %get3A_4, %get3A_15, %dot_general3A_16 {dimension_numbers = #tpu.dot_dimension_numbers<[1], [1], [0], [0], [0, 0, 1, 0], [], []>, transpose_lhs_hint = false} : vector<256x2048xf32>, vector<128x2048xf32>, vector<256x128xf32> -> vector<256x128xf32>
    %get3A_18 = arith.constant 0 : index
    %get3A_19 = arith.constant 0 : index
    %get3A_20 = vector.load %arg5[%get3A_18, %get3A_19] : memref<1x128xf32, #tpu.memory_space<vmem>>, vector<1x128xf32>
    %add3A_21 = vector.broadcast %get3A_20 : vector<1x128xf32> to vector<256x128xf32>
    %add3A_22 = arith.addf %dot_general3A_17, %add3A_21 : vector<256x128xf32>
    %mul3A = arith.mulf %add3A_12, %add3A_12 : vector<256x128xf32>
    %reduce_sum3A = arith.constant dense<0.000000e+00> : vector<256xf32>
    %reduce_sum3A_23 = vector.multi_reduction <add>, %mul3A, %reduce_sum3A [1] : vector<256x128xf32> to vector<256xf32>
    %broadcast_in_dim3A = vector.shape_cast %reduce_sum3A_23 : vector<256xf32> to vector<256x1xf32>
    %rsqrt3A = math.rsqrt %broadcast_in_dim3A : vector<256x1xf32>
    %mul3A_24 = vector.broadcast %rsqrt3A : vector<256x1xf32> to vector<256x128xf32>
    %mul3A_25 = arith.mulf %add3A_12, %mul3A_24 : vector<256x128xf32>
    %mul3A_26 = arith.mulf %add3A_22, %add3A_22 : vector<256x128xf32>
    %reduce_sum3A_27 = arith.constant dense<0.000000e+00> : vector<256xf32>
    %reduce_sum3A_28 = vector.multi_reduction <add>, %mul3A_26, %reduce_sum3A_27 [1] : vector<256x128xf32> to vector<256xf32>
    %broadcast_in_dim3A_29 = vector.shape_cast %reduce_sum3A_28 : vector<256xf32> to vector<256x1xf32>
    %rsqrt3A_30 = math.rsqrt %broadcast_in_dim3A_29 : vector<256x1xf32>
    %mul3A_31 = vector.broadcast %rsqrt3A_30 : vector<256x1xf32> to vector<256x128xf32>
    %mul3A_32 = arith.mulf %add3A_22, %mul3A_31 : vector<256x128xf32>
    %iota3A = tpu.iota {dimensions = array<i32: 0>} : vector<128x256xi32>
    %iota3A_33 = tpu.iota {dimensions = array<i32: 1>} : vector<128x256xi32>
    %mul3A_34 = arith.constant 2 : i32
    %mul3A_35 = vector.broadcast %mul3A_34 : i32 to vector<128x256xi32>
    %mul3A_36 = arith.muli %mul3A_35, %iota3A : vector<128x256xi32>
    %eq3A = arith.cmpi eq, %iota3A_33, %mul3A_36 : vector<128x256xi32>
    %convert_element_type3A = arith.extui %eq3A : vector<128x256xi1> to vector<128x256xi32>
    %convert_element_type3A_37 = arith.sitofp %convert_element_type3A : vector<128x256xi32> to vector<128x256xf32>
    %mul3A_38 = arith.constant 2 : i32
    %mul3A_39 = vector.broadcast %mul3A_38 : i32 to vector<128x256xi32>
    %mul3A_40 = arith.muli %mul3A_39, %iota3A : vector<128x256xi32>
    %add3A_41 = arith.constant 1 : i32
    %add3A_42 = vector.broadcast %add3A_41 : i32 to vector<128x256xi32>
    %add3A_43 = arith.addi %mul3A_40, %add3A_42 : vector<128x256xi32>
    %eq3A_44 = arith.cmpi eq, %iota3A_33, %add3A_43 : vector<128x256xi32>
    %convert_element_type3A_45 = arith.extui %eq3A_44 : vector<128x256xi1> to vector<128x256xi32>
    %convert_element_type3A_46 = arith.sitofp %convert_element_type3A_45 : vector<128x256xi32> to vector<128x256xf32>
    %dot_general3A_47 = arith.constant dense<0.000000e+00> : vector<128x128xf32>
    %dot_general3A_48 = tpu.matmul %convert_element_type3A_37, %mul3A_25, %dot_general3A_47 {dimension_numbers = #tpu.dot_dimension_numbers<[1], [0], [0], [1], [0, 0, 1, 1], [], []>, transpose_lhs_hint = false} : vector<128x256xf32>, vector<256x128xf32>, vector<128x128xf32> -> vector<128x128xf32>
    %dot_general3A_49 = arith.constant dense<0.000000e+00> : vector<128x128xf32>
    %dot_general3A_50 = tpu.matmul %convert_element_type3A_46, %mul3A_25, %dot_general3A_49 {dimension_numbers = #tpu.dot_dimension_numbers<[1], [0], [0], [1], [0, 0, 1, 1], [], []>, transpose_lhs_hint = false} : vector<128x256xf32>, vector<256x128xf32>, vector<128x128xf32> -> vector<128x128xf32>
    %dot_general3A_51 = arith.constant dense<0.000000e+00> : vector<128x128xf32>
    %dot_general3A_52 = tpu.matmul %convert_element_type3A_37, %mul3A_32, %dot_general3A_51 {dimension_numbers = #tpu.dot_dimension_numbers<[1], [0], [0], [1], [0, 0, 1, 1], [], []>, transpose_lhs_hint = false} : vector<128x256xf32>, vector<256x128xf32>, vector<128x128xf32> -> vector<128x128xf32>
    %dot_general3A_53 = arith.constant dense<0.000000e+00> : vector<128x128xf32>
    %dot_general3A_54 = tpu.matmul %convert_element_type3A_46, %mul3A_32, %dot_general3A_53 {dimension_numbers = #tpu.dot_dimension_numbers<[1], [0], [0], [1], [0, 0, 1, 1], [], []>, transpose_lhs_hint = false} : vector<128x256xf32>, vector<256x128xf32>, vector<128x128xf32> -> vector<128x128xf32>
    %get3A_55 = arith.constant 0 : index
    %get3A_56 = arith.constant 0 : index
    %get3A_57 = vector.load %arg6[%get3A_55, %get3A_56] : memref<128x128xf32, #tpu.memory_space<vmem>>, vector<128x128xf32>
    %mul3A_58 = arith.constant 5.000000e-01 : f32
    %mul3A_59 = vector.broadcast %mul3A_58 : f32 to vector<128x128xf32>
    %mul3A_60 = arith.mulf %get3A_57, %mul3A_59 : vector<128x128xf32>
    %mul3A_61 = arith.constant 5.000000e-01 : f32
    %mul3A_62 = vector.broadcast %mul3A_61 : f32 to vector<128x128xf32>
    %mul3A_63 = arith.mulf %dot_general3A_52, %mul3A_62 : vector<128x128xf32>
    %add3A_64 = arith.addf %mul3A_60, %mul3A_63 : vector<128x128xf32>
    %mul3A_65 = arith.mulf %add3A_64, %add3A_64 : vector<128x128xf32>
    %reduce_sum3A_66 = arith.constant dense<0.000000e+00> : vector<128xf32>
    %reduce_sum3A_67 = vector.multi_reduction <add>, %mul3A_65, %reduce_sum3A_66 [1] : vector<128x128xf32> to vector<128xf32>
    %broadcast_in_dim3A_68 = vector.shape_cast %reduce_sum3A_67 : vector<128xf32> to vector<128x1xf32>
    %rsqrt3A_69 = math.rsqrt %broadcast_in_dim3A_68 : vector<128x1xf32>
    %mul3A_70 = vector.broadcast %rsqrt3A_69 : vector<128x1xf32> to vector<128x128xf32>
    %mul3A_71 = arith.mulf %add3A_64, %mul3A_70 : vector<128x128xf32>
    %get3A_72 = arith.constant 0 : index
    %get3A_73 = arith.constant 0 : index
    %get3A_74 = vector.load %arg7[%get3A_72, %get3A_73] : memref<1x128xf32, #tpu.memory_space<vmem>>, vector<1x128xf32>
    %get3A_75 = arith.constant 0 : index
    %get3A_76 = arith.constant 0 : index
    %get3A_77 = vector.load %arg8[%get3A_75, %get3A_76] : memref<128x1xf32, #tpu.memory_space<vmem>>, vector<128x1xf32>
    %eq3A_78 = vector.broadcast %get3A_77 : vector<128x1xf32> to vector<128x128xf32>
    %eq3A_79 = vector.broadcast %get3A_74 : vector<1x128xf32> to vector<128x128xf32>
    %eq3A_80 = arith.cmpf oeq, %eq3A_78, %eq3A_79 : vector<128x128xf32>
    %convert_element_type3A_81 = arith.extui %eq3A_80 : vector<128x128xi1> to vector<128x128xi32>
    %convert_element_type3A_82 = arith.sitofp %convert_element_type3A_81 : vector<128x128xi32> to vector<128x128xf32>
    %iota3A_83 = tpu.iota {dimensions = array<i32: 0>} : vector<128x128xi32>
    %iota3A_84 = tpu.iota {dimensions = array<i32: 1>} : vector<128x128xi32>
    %gt3A = arith.cmpi sgt, %iota3A_84, %iota3A_83 : vector<128x128xi32>
    %convert_element_type3A_85 = arith.extui %gt3A : vector<128x128xi1> to vector<128x128xi32>
    %convert_element_type3A_86 = arith.sitofp %convert_element_type3A_85 : vector<128x128xi32> to vector<128x128xf32>
    %mul3A_87 = arith.mulf %convert_element_type3A_82, %convert_element_type3A_86 : vector<128x128xf32>
    %reduce_max3A = arith.constant dense<0xFF800000> : vector<128xf32>
    %reduce_max3A_88 = vector.multi_reduction <maximumf>, %mul3A_87, %reduce_max3A [1] : vector<128x128xf32> to vector<128xf32>
    %broadcast_in_dim3A_89 = vector.shape_cast %reduce_max3A_88 : vector<128xf32> to vector<128x1xf32>
    %sub3A = arith.constant 1.000000e+00 : f32
    %sub3A_90 = vector.broadcast %sub3A : f32 to vector<128x1xf32>
    %sub3A_91 = arith.subf %sub3A_90, %broadcast_in_dim3A_89 : vector<128x1xf32>
    %sub3A_92 = arith.subf %mul3A_71, %get3A_57 : vector<128x128xf32>
    %mul3A_93 = vector.broadcast %sub3A_91 : vector<128x1xf32> to vector<128x128xf32>
    %mul3A_94 = arith.mulf %sub3A_92, %mul3A_93 : vector<128x128xf32>
    %dot_general3A_95 = arith.constant dense<0.000000e+00> : vector<256x128xf32>
    %dot_general3A_96 = tpu.matmul %mul3A_25, %mul3A_94, %dot_general3A_95 {dimension_numbers = #tpu.dot_dimension_numbers<[1], [1], [0], [0], [0, 0, 1, 0], [], []>, transpose_lhs_hint = false} : vector<256x128xf32>, vector<128x128xf32>, vector<256x128xf32> -> vector<256x128xf32>
    %swap3A = arith.constant 0 : index
    %swap3A_97 = arith.constant 0 : index
    %swap3A_98 = vector.load %arg10[%swap3A, %swap3A_97] : memref<256x128xf32, #tpu.memory_space<vmem>>, vector<256x128xf32>
    tpu.vector_store %arg10[%swap3A, %swap3A_97], %dot_general3A_96 {strides = array<i32>} : memref<256x128xf32, #tpu.memory_space<vmem>>, vector<256x128xf32>,
    %broadcast_in_dim3A_99 = arith.constant 1.000000e+00 : f32
    %broadcast_in_dim3A_100 = vector.broadcast %broadcast_in_dim3A_99 : f32 to vector<1x128xf32>
    %mul3A_101 = arith.mulf %dot_general3A_48, %dot_general3A_52 : vector<128x128xf32>
    %dot_general3A_102 = arith.constant dense<0.000000e+00> : vector<1x128xf32>
    %dot_general3A_103 = tpu.matmul %broadcast_in_dim3A_100, %mul3A_101, %dot_general3A_102 {dimension_numbers = #tpu.dot_dimension_numbers<[1], [1], [0], [0], [0, 0, 1, 0], [], []>, transpose_lhs_hint = false} : vector<1x128xf32>, vector<128x128xf32>, vector<1x128xf32> -> vector<1x128xf32>
    %mul3A_104 = arith.mulf %dot_general3A_48, %dot_general3A_54 : vector<128x128xf32>
    %dot_general3A_105 = arith.constant dense<0.000000e+00> : vector<1x128xf32>
    %dot_general3A_106 = tpu.matmul %broadcast_in_dim3A_100, %mul3A_104, %dot_general3A_105 {dimension_numbers = #tpu.dot_dimension_numbers<[1], [1], [0], [0], [0, 0, 1, 0], [], []>, transpose_lhs_hint = false} : vector<1x128xf32>, vector<128x128xf32>, vector<1x128xf32> -> vector<1x128xf32>
    %mul3A_107 = arith.mulf %dot_general3A_50, %dot_general3A_52 : vector<128x128xf32>
    %dot_general3A_108 = arith.constant dense<0.000000e+00> : vector<1x128xf32>
    %dot_general3A_109 = tpu.matmul %broadcast_in_dim3A_100, %mul3A_107, %dot_general3A_108 {dimension_numbers = #tpu.dot_dimension_numbers<[1], [1], [0], [0], [0, 0, 1, 0], [], []>, transpose_lhs_hint = false} : vector<1x128xf32>, vector<128x128xf32>, vector<1x128xf32> -> vector<1x128xf32>
    %mul3A_110 = arith.mulf %dot_general3A_50, %dot_general3A_54 : vector<128x128xf32>
    %dot_general3A_111 = arith.constant dense<0.000000e+00> : vector<1x128xf32>
    %dot_general3A_112 = tpu.matmul %broadcast_in_dim3A_100, %mul3A_110, %dot_general3A_111 {dimension_numbers = #tpu.dot_dimension_numbers<[1], [1], [0], [0], [0, 0, 1, 0], [], []>, transpose_lhs_hint = false} : vector<1x128xf32>, vector<128x128xf32>, vector<1x128xf32> -> vector<1x128xf32>
    %mul3A_113 = arith.constant 2.000000e+00 : f32
    %mul3A_114 = vector.broadcast %mul3A_113 : f32 to vector<1x128xf32>
    %mul3A_115 = arith.mulf %mul3A_114, %dot_general3A_103 : vector<1x128xf32>
    %sub3A_116 = arith.constant 2.000000e+00 : f32
    %sub3A_117 = vector.broadcast %sub3A_116 : f32 to vector<1x128xf32>
    %sub3A_118 = arith.subf %sub3A_117, %mul3A_115 : vector<1x128xf32>
    %mul3A_119 = arith.constant 2.000000e+00 : f32
    %mul3A_120 = vector.broadcast %mul3A_119 : f32 to vector<1x128xf32>
    %mul3A_121 = arith.mulf %mul3A_120, %dot_general3A_106 : vector<1x128xf32>
    %sub3A_122 = arith.constant 2.000000e+00 : f32
    %sub3A_123 = vector.broadcast %sub3A_122 : f32 to vector<1x128xf32>
    %sub3A_124 = arith.subf %sub3A_123, %mul3A_121 : vector<1x128xf32>
    %mul3A_125 = arith.constant 2.000000e+00 : f32
    %mul3A_126 = vector.broadcast %mul3A_125 : f32 to vector<1x128xf32>
    %mul3A_127 = arith.mulf %mul3A_126, %dot_general3A_109 : vector<1x128xf32>
    %sub3A_128 = arith.constant 2.000000e+00 : f32
    %sub3A_129 = vector.broadcast %sub3A_128 : f32 to vector<1x128xf32>
    %sub3A_130 = arith.subf %sub3A_129, %mul3A_127 : vector<1x128xf32>
    %mul3A_131 = arith.constant 2.000000e+00 : f32
    %mul3A_132 = vector.broadcast %mul3A_131 : f32 to vector<1x128xf32>
    %mul3A_133 = arith.mulf %mul3A_132, %dot_general3A_112 : vector<1x128xf32>
    %sub3A_134 = arith.constant 2.000000e+00 : f32
    %sub3A_135 = vector.broadcast %sub3A_134 : f32 to vector<1x128xf32>
    %sub3A_136 = arith.subf %sub3A_135, %mul3A_133 : vector<1x128xf32>
    %log3A = arith.constant 5.000000e-01 : f32
    %log3A_137 = math.log %log3A : f32
    %broadcast_in_dim3A_138 = arith.constant 0.000000e+00 : f32
    %broadcast_in_dim3A_139 = vector.broadcast %broadcast_in_dim3A_138 : f32 to vector<1x128xf32>
    %scan3A = arith.constant 0 : i32
    %scan3A_140 = arith.constant 100 : i32
    %scan3A_141 = arith.addi %scan3A, %scan3A_140 : i32
    %scan3A_142 = arith.constant 1 : i32
    %scan3A_143:4 = scf.for %scan3A_190 = %scan3A to %scan3A_141 step %scan3A_142 iter_args(%scan3A_191 = %broadcast_in_dim3A_139, %scan3A_192 = %broadcast_in_dim3A_139, %scan3A_193 = %broadcast_in_dim3A_139, %scan3A_194 = %broadcast_in_dim3A_139) -> (vector<1x128xf32>, vector<1x128xf32>, vector<1x128xf32>, vector<1x128xf32>)  : i32 {
      %neg3A_195 = arith.constant 0.000000e+00 : f32
      %neg3A_196 = vector.broadcast %neg3A_195 : f32 to vector<1x128xf32>
      %neg3A_197 = arith.subf %neg3A_196, %sub3A_118 : vector<1x128xf32>
      %add3A_198 = arith.addf %neg3A_197, %scan3A_191 : vector<1x128xf32>
      %add3A_199 = arith.addf %add3A_198, %scan3A_193 : vector<1x128xf32>
      %div3A_200 = arith.constant 1.000000e-01 : f32
      %div3A_201 = vector.broadcast %div3A_200 : f32 to vector<1x128xf32>
      %div3A_202 = arith.divf %add3A_199, %div3A_201 : vector<1x128xf32>
      %neg3A_203 = arith.constant 0.000000e+00 : f32
      %neg3A_204 = vector.broadcast %neg3A_203 : f32 to vector<1x128xf32>
      %neg3A_205 = arith.subf %neg3A_204, %sub3A_124 : vector<1x128xf32>
      %add3A_206 = arith.addf %neg3A_205, %scan3A_191 : vector<1x128xf32>
      %add3A_207 = arith.addf %add3A_206, %scan3A_194 : vector<1x128xf32>
      %div3A_208 = arith.constant 1.000000e-01 : f32
      %div3A_209 = vector.broadcast %div3A_208 : f32 to vector<1x128xf32>
      %div3A_210 = arith.divf %add3A_207, %div3A_209 : vector<1x128xf32>
      %neg3A_211 = arith.constant 0.000000e+00 : f32
      %neg3A_212 = vector.broadcast %neg3A_211 : f32 to vector<1x128xf32>
      %neg3A_213 = arith.subf %neg3A_212, %sub3A_130 : vector<1x128xf32>
      %add3A_214 = arith.addf %neg3A_213, %scan3A_192 : vector<1x128xf32>
      %add3A_215 = arith.addf %add3A_214, %scan3A_193 : vector<1x128xf32>
      %div3A_216 = arith.constant 1.000000e-01 : f32
      %div3A_217 = vector.broadcast %div3A_216 : f32 to vector<1x128xf32>
      %div3A_218 = arith.divf %add3A_215, %div3A_217 : vector<1x128xf32>
      %neg3A_219 = arith.constant 0.000000e+00 : f32
      %neg3A_220 = vector.broadcast %neg3A_219 : f32 to vector<1x128xf32>
      %neg3A_221 = arith.subf %neg3A_220, %sub3A_136 : vector<1x128xf32>
      %add3A_222 = arith.addf %neg3A_221, %scan3A_192 : vector<1x128xf32>
      %add3A_223 = arith.addf %add3A_222, %scan3A_194 : vector<1x128xf32>
      %div3A_224 = arith.constant 1.000000e-01 : f32
      %div3A_225 = vector.broadcast %div3A_224 : f32 to vector<1x128xf32>
      %div3A_226 = arith.divf %add3A_223, %div3A_225 : vector<1x128xf32>
      %max3A = arith.maximumf %div3A_202, %div3A_210 : vector<1x128xf32>
      %sub3A_227 = arith.subf %div3A_202, %div3A_210 : vector<1x128xf32>
      %ne3A = arith.cmpf one, %sub3A_227, %sub3A_227 : vector<1x128xf32>
      %add3A_228 = arith.addf %div3A_202, %div3A_210 : vector<1x128xf32>
      %abs3A = math.absf %sub3A_227 : vector<1x128xf32>
      %neg3A_229 = arith.constant 0.000000e+00 : f32
      %neg3A_230 = vector.broadcast %neg3A_229 : f32 to vector<1x128xf32>
      %neg3A_231 = arith.subf %neg3A_230, %abs3A : vector<1x128xf32>
      %exp3A_232 = math.exp %neg3A_231 : vector<1x128xf32>
      %log1p3A = math.log1p %exp3A_232 : vector<1x128xf32>
      %add3A_233 = arith.addf %max3A, %log1p3A : vector<1x128xf32>
      %select_n3A = arith.select %ne3A, %add3A_228, %add3A_233 : vector<1x128xi1>, vector<1x128xf32>
      %sub3A_234 = vector.broadcast %log3A_137 : f32 to vector<1x128xf32>
      %sub3A_235 = arith.subf %sub3A_234, %select_n3A : vector<1x128xf32>
      %mul3A_236 = arith.constant 1.000000e-01 : f32
      %mul3A_237 = vector.broadcast %mul3A_236 : f32 to vector<1x128xf32>
      %mul3A_238 = arith.mulf %mul3A_237, %sub3A_235 : vector<1x128xf32>
      %add3A_239 = arith.addf %mul3A_238, %scan3A_191 : vector<1x128xf32>
      %max3A_240 = arith.maximumf %div3A_218, %div3A_226 : vector<1x128xf32>
      %sub3A_241 = arith.subf %div3A_218, %div3A_226 : vector<1x128xf32>
      %ne3A_242 = arith.cmpf one, %sub3A_241, %sub3A_241 : vector<1x128xf32>
      %add3A_243 = arith.addf %div3A_218, %div3A_226 : vector<1x128xf32>
      %abs3A_244 = math.absf %sub3A_241 : vector<1x128xf32>
      %neg3A_245 = arith.constant 0.000000e+00 : f32
      %neg3A_246 = vector.broadcast %neg3A_245 : f32 to vector<1x128xf32>
      %neg3A_247 = arith.subf %neg3A_246, %abs3A_244 : vector<1x128xf32>
      %exp3A_248 = math.exp %neg3A_247 : vector<1x128xf32>
      %log1p3A_249 = math.log1p %exp3A_248 : vector<1x128xf32>
      %add3A_250 = arith.addf %max3A_240, %log1p3A_249 : vector<1x128xf32>
      %select_n3A_251 = arith.select %ne3A_242, %add3A_243, %add3A_250 : vector<1x128xi1>, vector<1x128xf32>
      %sub3A_252 = vector.broadcast %log3A_137 : f32 to vector<1x128xf32>
      %sub3A_253 = arith.subf %sub3A_252, %select_n3A_251 : vector<1x128xf32>
      %mul3A_254 = arith.constant 1.000000e-01 : f32
      %mul3A_255 = vector.broadcast %mul3A_254 : f32 to vector<1x128xf32>
      %mul3A_256 = arith.mulf %mul3A_255, %sub3A_253 : vector<1x128xf32>
      %add3A_257 = arith.addf %mul3A_256, %scan3A_192 : vector<1x128xf32>
      %neg3A_258 = arith.constant 0.000000e+00 : f32
      %neg3A_259 = vector.broadcast %neg3A_258 : f32 to vector<1x128xf32>
      %neg3A_260 = arith.subf %neg3A_259, %sub3A_118 : vector<1x128xf32>
      %add3A_261 = arith.addf %neg3A_260, %add3A_239 : vector<1x128xf32>
      %add3A_262 = arith.addf %add3A_261, %scan3A_193 : vector<1x128xf32>
      %div3A_263 = arith.constant 1.000000e-01 : f32
      %div3A_264 = vector.broadcast %div3A_263 : f32 to vector<1x128xf32>
      %div3A_265 = arith.divf %add3A_262, %div3A_264 : vector<1x128xf32>
      %neg3A_266 = arith.constant 0.000000e+00 : f32
      %neg3A_267 = vector.broadcast %neg3A_266 : f32 to vector<1x128xf32>
      %neg3A_268 = arith.subf %neg3A_267, %sub3A_124 : vector<1x128xf32>
      %add3A_269 = arith.addf %neg3A_268, %add3A_239 : vector<1x128xf32>
      %add3A_270 = arith.addf %add3A_269, %scan3A_194 : vector<1x128xf32>
      %div3A_271 = arith.constant 1.000000e-01 : f32
      %div3A_272 = vector.broadcast %div3A_271 : f32 to vector<1x128xf32>
      %div3A_273 = arith.divf %add3A_270, %div3A_272 : vector<1x128xf32>
      %neg3A_274 = arith.constant 0.000000e+00 : f32
      %neg3A_275 = vector.broadcast %neg3A_274 : f32 to vector<1x128xf32>
      %neg3A_276 = arith.subf %neg3A_275, %sub3A_130 : vector<1x128xf32>
      %add3A_277 = arith.addf %neg3A_276, %add3A_257 : vector<1x128xf32>
      %add3A_278 = arith.addf %add3A_277, %scan3A_193 : vector<1x128xf32>
      %div3A_279 = arith.constant 1.000000e-01 : f32
      %div3A_280 = vector.broadcast %div3A_279 : f32 to vector<1x128xf32>
      %div3A_281 = arith.divf %add3A_278, %div3A_280 : vector<1x128xf32>
      %neg3A_282 = arith.constant 0.000000e+00 : f32
      %neg3A_283 = vector.broadcast %neg3A_282 : f32 to vector<1x128xf32>
      %neg3A_284 = arith.subf %neg3A_283, %sub3A_136 : vector<1x128xf32>
      %add3A_285 = arith.addf %neg3A_284, %add3A_257 : vector<1x128xf32>
      %add3A_286 = arith.addf %add3A_285, %scan3A_194 : vector<1x128xf32>
      %div3A_287 = arith.constant 1.000000e-01 : f32
      %div3A_288 = vector.broadcast %div3A_287 : f32 to vector<1x128xf32>
      %div3A_289 = arith.divf %add3A_286, %div3A_288 : vector<1x128xf32>
      %max3A_290 = arith.maximumf %div3A_265, %div3A_281 : vector<1x128xf32>
      %sub3A_291 = arith.subf %div3A_265, %div3A_281 : vector<1x128xf32>
      %ne3A_292 = arith.cmpf one, %sub3A_291, %sub3A_291 : vector<1x128xf32>
      %add3A_293 = arith.addf %div3A_265, %div3A_281 : vector<1x128xf32>
      %abs3A_294 = math.absf %sub3A_291 : vector<1x128xf32>
      %neg3A_295 = arith.constant 0.000000e+00 : f32
      %neg3A_296 = vector.broadcast %neg3A_295 : f32 to vector<1x128xf32>
      %neg3A_297 = arith.subf %neg3A_296, %abs3A_294 : vector<1x128xf32>
      %exp3A_298 = math.exp %neg3A_297 : vector<1x128xf32>
      %log1p3A_299 = math.log1p %exp3A_298 : vector<1x128xf32>
      %add3A_300 = arith.addf %max3A_290, %log1p3A_299 : vector<1x128xf32>
      %select_n3A_301 = arith.select %ne3A_292, %add3A_293, %add3A_300 : vector<1x128xi1>, vector<1x128xf32>
      %sub3A_302 = vector.broadcast %log3A_137 : f32 to vector<1x128xf32>
      %sub3A_303 = arith.subf %sub3A_302, %select_n3A_301 : vector<1x128xf32>
      %mul3A_304 = arith.constant 1.000000e-01 : f32
      %mul3A_305 = vector.broadcast %mul3A_304 : f32 to vector<1x128xf32>
      %mul3A_306 = arith.mulf %mul3A_305, %sub3A_303 : vector<1x128xf32>
      %add3A_307 = arith.addf %mul3A_306, %scan3A_193 : vector<1x128xf32>
      %max3A_308 = arith.maximumf %div3A_273, %div3A_289 : vector<1x128xf32>
      %sub3A_309 = arith.subf %div3A_273, %div3A_289 : vector<1x128xf32>
      %ne3A_310 = arith.cmpf one, %sub3A_309, %sub3A_309 : vector<1x128xf32>
      %add3A_311 = arith.addf %div3A_273, %div3A_289 : vector<1x128xf32>
      %abs3A_312 = math.absf %sub3A_309 : vector<1x128xf32>
      %neg3A_313 = arith.constant 0.000000e+00 : f32
      %neg3A_314 = vector.broadcast %neg3A_313 : f32 to vector<1x128xf32>
      %neg3A_315 = arith.subf %neg3A_314, %abs3A_312 : vector<1x128xf32>
      %exp3A_316 = math.exp %neg3A_315 : vector<1x128xf32>
      %log1p3A_317 = math.log1p %exp3A_316 : vector<1x128xf32>
      %add3A_318 = arith.addf %max3A_308, %log1p3A_317 : vector<1x128xf32>
      %select_n3A_319 = arith.select %ne3A_310, %add3A_311, %add3A_318 : vector<1x128xi1>, vector<1x128xf32>
      %sub3A_320 = vector.broadcast %log3A_137 : f32 to vector<1x128xf32>
      %sub3A_321 = arith.subf %sub3A_320, %select_n3A_319 : vector<1x128xf32>
      %mul3A_322 = arith.constant 1.000000e-01 : f32
      %mul3A_323 = vector.broadcast %mul3A_322 : f32 to vector<1x128xf32>
      %mul3A_324 = arith.mulf %mul3A_323, %sub3A_321 : vector<1x128xf32>
      %add3A_325 = arith.addf %mul3A_324, %scan3A_194 : vector<1x128xf32>
      scf.yield %add3A_239, %add3A_257, %add3A_307, %add3A_325 : vector<1x128xf32>, vector<1x128xf32>, vector<1x128xf32>, vector<1x128xf32>
    }
    %neg3A = arith.constant 0.000000e+00 : f32
    %neg3A_144 = vector.broadcast %neg3A : f32 to vector<1x128xf32>
    %neg3A_145 = arith.subf %neg3A_144, %sub3A_118 : vector<1x128xf32>
    %add3A_146 = arith.addf %neg3A_145, %scan3A_143#0 : vector<1x128xf32>
    %add3A_147 = arith.addf %add3A_146, %scan3A_143#2 : vector<1x128xf32>
    %div3A = arith.constant 1.000000e-01 : f32
    %div3A_148 = vector.broadcast %div3A : f32 to vector<1x128xf32>
    %div3A_149 = arith.divf %add3A_147, %div3A_148 : vector<1x128xf32>
    %neg3A_150 = arith.constant 0.000000e+00 : f32
    %neg3A_151 = vector.broadcast %neg3A_150 : f32 to vector<1x128xf32>
    %neg3A_152 = arith.subf %neg3A_151, %sub3A_124 : vector<1x128xf32>
    %add3A_153 = arith.addf %neg3A_152, %scan3A_143#0 : vector<1x128xf32>
    %add3A_154 = arith.addf %add3A_153, %scan3A_143#3 : vector<1x128xf32>
    %div3A_155 = arith.constant 1.000000e-01 : f32
    %div3A_156 = vector.broadcast %div3A_155 : f32 to vector<1x128xf32>
    %div3A_157 = arith.divf %add3A_154, %div3A_156 : vector<1x128xf32>
    %neg3A_158 = arith.constant 0.000000e+00 : f32
    %neg3A_159 = vector.broadcast %neg3A_158 : f32 to vector<1x128xf32>
    %neg3A_160 = arith.subf %neg3A_159, %sub3A_130 : vector<1x128xf32>
    %add3A_161 = arith.addf %neg3A_160, %scan3A_143#1 : vector<1x128xf32>
    %add3A_162 = arith.addf %add3A_161, %scan3A_143#2 : vector<1x128xf32>
    %div3A_163 = arith.constant 1.000000e-01 : f32
    %div3A_164 = vector.broadcast %div3A_163 : f32 to vector<1x128xf32>
    %div3A_165 = arith.divf %add3A_162, %div3A_164 : vector<1x128xf32>
    %neg3A_166 = arith.constant 0.000000e+00 : f32
    %neg3A_167 = vector.broadcast %neg3A_166 : f32 to vector<1x128xf32>
    %neg3A_168 = arith.subf %neg3A_167, %sub3A_136 : vector<1x128xf32>
    %add3A_169 = arith.addf %neg3A_168, %scan3A_143#1 : vector<1x128xf32>
    %add3A_170 = arith.addf %add3A_169, %scan3A_143#3 : vector<1x128xf32>
    %div3A_171 = arith.constant 1.000000e-01 : f32
    %div3A_172 = vector.broadcast %div3A_171 : f32 to vector<1x128xf32>
    %div3A_173 = arith.divf %add3A_170, %div3A_172 : vector<1x128xf32>
    %exp3A = math.exp %div3A_149 : vector<1x128xf32>
    %mul3A_174 = arith.mulf %exp3A, %dot_general3A_103 : vector<1x128xf32>
    %exp3A_175 = math.exp %div3A_157 : vector<1x128xf32>
    %mul3A_176 = arith.mulf %exp3A_175, %dot_general3A_106 : vector<1x128xf32>
    %add3A_177 = arith.addf %mul3A_174, %mul3A_176 : vector<1x128xf32>
    %exp3A_178 = math.exp %div3A_165 : vector<1x128xf32>
    %mul3A_179 = arith.mulf %exp3A_178, %dot_general3A_109 : vector<1x128xf32>
    %add3A_180 = arith.addf %add3A_177, %mul3A_179 : vector<1x128xf32>
    %exp3A_181 = math.exp %div3A_173 : vector<1x128xf32>
    %mul3A_182 = arith.mulf %exp3A_181, %dot_general3A_112 : vector<1x128xf32>
    %add3A_183 = arith.addf %add3A_180, %mul3A_182 : vector<1x128xf32>
    %swap3A_184 = arith.constant 0 : index
    %swap3A_185 = arith.constant 0 : index
    %swap3A_186 = vector.load %arg9[%swap3A_184, %swap3A_185] : memref<256x128xf32, #tpu.memory_space<vmem>>, vector<256x128xf32>
    tpu.vector_store %arg9[%swap3A_184, %swap3A_185], %mul3A_25 {strides = array<i32>} : memref<256x128xf32, #tpu.memory_space<vmem>>, vector<256x128xf32>,
    %swap3A_187 = arith.constant 0 : index
    %swap3A_188 = arith.constant 0 : index
    %swap3A_189 = vector.load %arg11[%swap3A_187, %swap3A_188] : memref<1x128xf32, #tpu.memory_space<vmem>>, vector<1x128xf32>
    tpu.vector_store %arg11[%swap3A_187, %swap3A_188], %add3A_183 {strides = array<i32>} : memref<1x128xf32, #tpu.memory_space<vmem>>, vector<1x128xf32>,
    return
  }
}

module attributes {stable_mosaic.version = 14 : i64} {
  func.func @_tce_body(%arg0: memref<128x2048xf32, #tpu.memory_space<vmem>>, %arg1: memref<128x2048xf32, #tpu.memory_space<vmem>>, %arg2: memref<1x128xf32, #tpu.memory_space<vmem>>, %arg3: memref<1x1xf32, #tpu.memory_space<smem>>) attributes {dimension_semantics = [], scalar_prefetch = 0 : i64, scratch_operands = 0 : i64, tpu.core_type = #tpu.core_type<tc>} {
    %get3A = arith.constant 0 : index
    %get3A_0 = arith.constant 0 : index
    %get3A_1 = vector.load %arg0[%get3A, %get3A_0] : memref<128x2048xf32, #tpu.memory_space<vmem>>, vector<128x2048xf32>
    %div3A = arith.constant 7.000000e-02 : f32
    %div3A_2 = vector.broadcast %div3A : f32 to vector<128x2048xf32>
    %div3A_3 = arith.divf %get3A_1, %div3A_2 : vector<128x2048xf32>
    %exp3A = math.exp %div3A_3 : vector<128x2048xf32>
    %get3A_4 = arith.constant 0 : index
    %get3A_5 = arith.constant 0 : index
    %get3A_6 = vector.load %arg1[%get3A_4, %get3A_5] : memref<128x2048xf32, #tpu.memory_space<vmem>>, vector<128x2048xf32>
    %div3A_7 = arith.constant 7.000000e-02 : f32
    %div3A_8 = vector.broadcast %div3A_7 : f32 to vector<128x2048xf32>
    %div3A_9 = arith.divf %get3A_6, %div3A_8 : vector<128x2048xf32>
    %exp3A_10 = math.exp %div3A_9 : vector<128x2048xf32>
    %add3A = arith.addf %exp3A, %exp3A_10 : vector<128x2048xf32>
    %broadcast_in_dim3A = arith.constant 1.000000e+00 : f32
    %broadcast_in_dim3A_11 = vector.broadcast %broadcast_in_dim3A : f32 to vector<1x2048xf32>
    %dot_general3A = arith.constant dense<0.000000e+00> : vector<1x128xf32>
    %dot_general3A_12 = tpu.matmul %broadcast_in_dim3A_11, %add3A, %dot_general3A {dimension_numbers = #tpu.dot_dimension_numbers<[1], [1], [0], [0], [0, 0, 1, 0], [], []>, transpose_lhs_hint = false} : vector<1x2048xf32>, vector<128x2048xf32>, vector<1x128xf32> -> vector<1x128xf32>
    %get3A_13 = arith.constant 0 : index
    %get3A_14 = arith.constant 0 : index
    %get3A_15 = vector.load %arg2[%get3A_13, %get3A_14] : memref<1x128xf32, #tpu.memory_space<vmem>>, vector<1x128xf32>
    %div3A_16 = arith.constant 7.000000e-02 : f32
    %div3A_17 = vector.broadcast %div3A_16 : f32 to vector<1x128xf32>
    %div3A_18 = arith.divf %get3A_15, %div3A_17 : vector<1x128xf32>
    %exp3A_19 = math.exp %div3A_18 : vector<1x128xf32>
    %add3A_20 = arith.addf %exp3A_19, %dot_general3A_12 : vector<1x128xf32>
    %div3A_21 = arith.divf %exp3A_19, %add3A_20 : vector<1x128xf32>
    %log3A = math.log %div3A_21 : vector<1x128xf32>
    %reduce_sum3A = vector.shape_cast %log3A : vector<1x128xf32> to vector<1x1x128xf32>
    %reduce_sum3A_22 = arith.constant dense<0.000000e+00> : vector<1xf32>
    %reduce_sum3A_23 = vector.multi_reduction <add>, %reduce_sum3A, %reduce_sum3A_22 [1, 2] : vector<1x1x128xf32> to vector<1xf32>
    %reduce_sum3A_24 = vector.shape_cast %reduce_sum3A_23 : vector<1xf32> to vector<1x1x1xf32>
    %reduce_sum3A_25 = vector.extract %reduce_sum3A_24[0, 0, 0] : f32 from vector<1x1x1xf32>
    %neg3A = arith.constant 0.000000e+00 : f32
    %neg3A_26 = arith.subf %neg3A, %reduce_sum3A_25 : f32
    %div3A_27 = arith.constant 1.280000e+02 : f32
    %div3A_28 = arith.divf %neg3A_26, %div3A_27 : f32
    %swap3A = arith.constant 0 : index
    %swap3A_29 = arith.constant 0 : index
    %swap3A_30 = memref.load %arg3[%swap3A, %swap3A_29] : memref<1x1xf32, #tpu.memory_space<smem>>
    memref.store %div3A_28, %arg3[%swap3A, %swap3A_29] : memref<1x1xf32, #tpu.memory_space<smem>>
    return
  }
}

</mosaic_0001>

<sc_bundles>
// kernel: kernel.10.cloned.1.call-start
scs
__scs_entry_jumppad:
0x0: {  	(pc) =	sbr.rel $0x88, $3  }
0x1: {  	(tag) =	ssettag $0x0;
	lr =	simm.s32 $0x1  }
0x2: {  	[smem:$0x3F98] =	sst lr;
	_ =	strace $0xD0000000  }
0x3: {  	_ = 	snop  }
0x4: {  	_ = 	snop  }
0x5: {  	_ = 	snop  }
0x6: {  	_ = 	snop  }
0x7: {  	_ = 	snop  }
__scs_overlays_trampoline_lowered:
0x8: {  	[smem:$0x3FA7] =	sst s0  }
0x9: {  	[smem:$0x3FA8] =	sst s1  }
0xa: {  	[smem:$0x3FA9] =	sst s2  }
0xb: {  	[smem:$0x3FAA] =	sst s3  }
0xc: {  	[smem:$0x3FAB] =	sst s4  }
0xd: {  	[smem:$0x3FAC] =	sst s5  }
0xe: {  	[smem:$0x3FAD] =	sst s6  }
0xf: {  	[smem:$0x3FAE] =	sst s7  }
0x10: {  	[smem:$0x3FAF] =	sst s8  }
0x11: {  	[smem:$0x3FB0] =	sst s9;
	s0 =	simm.s32 @!p0 $0x0  }
0x12: {  	s1 =	sld [smem:$0x3F96];
	s0 =	simm.s32 @p0 $0x1  }
0x13: {  	[smem:$0x3FB1] =	sst s0;
	s0 =	simm.s32 @!p1 $0x0  }
0x14: {  	s2 =	sld [smem:$0x3F95];
	s0 =	simm.s32 @p1 $0x1  }
0x15: {  	[smem:$0x3FB2] =	sst s0;
	s0 =	simm.s32 @!p2 $0x0  }
0x16: {  	s3 =	sld [smem:$0x3FDB];
	s0 =	simm.s32 @p2 $0x1  }
0x17: {  	s4 =	simm.s32 $0x1BF5;
	[smem:$0x3FB4] =	sst s0  }
0x18: {  	s0 =	sld [smem:$0x3F97];
	_ =	swait.ge [sflag:s4], $0x0  }
0x19: {  	s7 =	sld [smem:$0x3F98]  }
0x1a: {  	s8 =	sadd.s32 $0xFFFFE003, lr  }
0x1b: {  	s9 =	sadd.s32 $0xFFFFFEF7, lr;
	s5 =	simm.s32 $0xFFFFFFFF;
	p2 =	slt.u32 s8, $0xFFFFF086  }
0x1c: {  	p1 =	slt.u32 s9, $0xF7A;
	s5 =	simm.s32 @!p2 $0x0  }
0x1d: {  	s5 =	simm.s32 @p1 $0x1;
	p0 =	seq.s32 s7, s2  }
0x1e: {  	s7 =	smul.u32 @!p0 $0xF7A, s2;
	p2 =	seq.s32 @!p0 s5, $0x0  }
0x1f: {  	s9 =	smul.u32 $0xF7A, s1;
	s8 =	simm.s32 @!p0 $0x1BF5;
	p2 =	por !p2, p0  }
0x20: {  	[sflag:s8] =	ssyncset.s32 @!p0 $0xFFFFF086;
	s6 =	sadd.s32 @!p0 s3, s7;
	s7 =	simm.s32 @!p0 $0x108  }
0x21: {  	s3 =	sadd.s32 s3, s9;
	s6 =	sadd.s32 @!p0 $0x88, s6;
	s7 =	simm.s32 @p2 $0x1082  }
0x22: {  	[simem:s7], [sflag:s8] =	dma.local @!p0 [hbm:s6], $0xF7A  }
0x23: {  	s9 =	sor.u32 $0xD0000000, s2;
	s6 =	simm.s32 $0x108;
	_ =	swait.ge @!p0 [sflag:s8], $0x0  }
0x24: {  	s3 =	sadd.s32 $0x88, s3;
	s6 =	simm.s32 @!p1 $0x1082;
	[sflag:s4] =	ssyncset.s32 $0xFFFFF086  }
0x25: {  	[simem:s6], [sflag:s4] =	dma.local [hbm:s3], $0xF7A  }
0x26: {  	[smem:$0x3F98] =	sst s1;
	(tag) =	ssettag s2;
	_ =	strace s9  }
0x27: {  	s1 =	sld [smem:$0x3FA8]  }
0x28: {  	s2 =	sld [smem:$0x3FA9]  }
0x29: {  	s4 =	sld [smem:$0x3FAB]  }
0x2a: {  	p0 =	seq.s32 s5, $0x0;
	s5 =	sld [smem:$0x3FAC]  }
0x2b: {  	s6 =	sld [smem:$0x3FAD]  }
0x2c: {  	s7 =	sld [smem:$0x3FAE]  }
0x2d: {  	s3 =	simm.s32 $0x108;
	s8 =	sld [smem:$0x3FAF]  }
0x2e: {  	s3 =	simm.s32 @!p0 $0x1082;
	s9 =	sld [smem:$0x3FB0]  }
0x2f: {  	lr =	sadd.s32 s0, s3;
	s0 =	sld [smem:$0x3FA7]  }
0x30: {  	s3 =	sld [smem:$0x3FAA]  }
0x31: {  	[smem:$0x3FB3] =	sst s10  }
0x32: {  	s10 =	sld [smem:$0x3FB1];
	_ =	sdelay $0x3  }
0x33: {  	p0 =	seq.s32 s10, $0x1;
	s10 =	sld [smem:$0x3FB3];
	_ =	sdelay $0x3  }
0x34: {  	[smem:$0x3FB3] =	sst s10  }
0x35: {  	s10 =	sld [smem:$0x3FB2];
	_ =	sdelay $0x3  }
0x36: {  	p1 =	seq.s32 s10, $0x1;
	s10 =	sld [smem:$0x3FB3];
	_ =	sdelay $0x3  }
0x37: {  	[smem:$0x3FB3] =	sst s10  }
0x38: {  	s10 =	sld [smem:$0x3FB4]  }
0x39: {  	_ = 	snop;
	(pc) =	sbr.ind lr, $3  }
0x3a: {  	_ = 	snop  }
0x3b: {  	_ = 	snop  }
0x3c: {  	p2 =	seq.s32 s10, $0x1;
	s10 =	sld [smem:$0x3FB3]  }
0x3d: {  	_ =	shalt  }
0x3e: {  	_ =	shalt  }
0x3f: {  	_ =	shalt  }
0x40: {  	_ =	shalt  }
0x41: {  	_ =	shalt  }
0x42: {  	_ =	shalt  }
0x43: {  	_ =	shalt  }
0x44: {  	_ =	shalt  }
0x45: {  	_ =	shalt  }
0x46: {  	_ =	shalt  }
0x47: {  	_ =	shalt  }
0x48: {  	_ =	shalt  }
0x49: {  	_ =	shalt  }
0x4a: {  	_ =	shalt  }
0x4b: {  	_ =	shalt  }
0x4c: {  	_ =	shalt  }
0x4d: {  	_ =	shalt  }
0x4e: {  	_ =	shalt  }
0x4f: {  	_ =	shalt  }
0x50: {  	_ =	shalt  }
0x51: {  	_ =	shalt  }
0x52: {  	_ =	shalt  }
0x53: {  	_ =	shalt  }
0x54: {  	_ =	shalt  }
0x55: {  	_ =	shalt  }
0x56: {  	_ =	shalt  }
0x57: {  	_ =	shalt  }
0x58: {  	_ =	shalt  }
0x59: {  	_ =	shalt  }
0x5a: {  	_ =	shalt  }
0x5b: {  	_ =	shalt  }
0x5c: {  	_ =	shalt  }
0x5d: {  	_ =	shalt  }
0x5e: {  	_ =	shalt  }
0x5f: {  	_ =	shalt  }
0x60: {  	_ =	shalt  }
0x61: {  	_ =	shalt  }
0x62: {  	_ =	shalt  }
0x63: {  	_ =	shalt  }
0x64: {  	_ =	shalt  }
0x65: {  	_ =	shalt  }
0x66: {  	_ =	shalt  }
0x67: {  	_ =	shalt  }
0x68: {  	_ =	shalt  }
0x69: {  	_ =	shalt  }
0x6a: {  	_ =	shalt  }
0x6b: {  	_ =	shalt  }
0x6c: {  	_ =	shalt  }
0x6d: {  	_ =	shalt  }
0x6e: {  	_ =	shalt  }
0x6f: {  	_ =	shalt  }
0x70: {  	_ =	shalt  }
0x71: {  	_ =	shalt  }
0x72: {  	_ =	shalt  }
0x73: {  	_ =	shalt  }
0x74: {  	_ =	shalt  }
0x75: {  	_ =	shalt  }
0x76: {  	_ =	shalt  }
0x77: {  	_ =	shalt  }
0x78: {  	_ =	shalt  }
0x79: {  	_ =	shalt  }
0x7a: {  	_ =	shalt  }
0x7b: {  	_ =	shalt  }
0x7c: {  	_ =	shalt  }
0x7d: {  	_ =	shalt  }
0x7e: {  	_ =	shalt  }
0x7f: {  	_ =	shalt  }
0x80: {  	_ =	shalt  }
0x81: {  	_ =	shalt  }
0x82: {  	_ =	shalt  }
0x83: {  	_ =	shalt  }
0x84: {  	_ =	shalt  }
0x85: {  	_ =	shalt  }
0x86: {  	_ =	shalt  }
0x87: {  	_ =	shalt  }
.Lfunc_end0:
.L_simem_size_0:
called_computation.2_lowered:
.L_overlay_start_0:
0x88: {  	s2 =	sld [smem:$0x3FD9]  }
0x89: {  	s3 =	sld [smem:$0x3FFE];
	_ =	sdelay $0x1  }
0x8a: {  	s1 =	srdreg.scid  }
0x8b: {  	s0 =	sand.u32 $0x1, s1  }
0x8c: {  	s16 =	sshll.u32 s0, $0xA;
	s2 =	sadd.s32 s3, s2  }
0x8d: {  	s2 =	sadd.s32 s2, s16  }
0x8e: {  	[smem:$0x3FBF] =	sst s2  }
0x8f: {  	_ = 	snop  }
0x90: {  	(tm) =	ssettm $0x1  }
0x91: {  	s17 =	sld [smem:$0x3FFB];
	_ =	sdelay $0x3  }
0x92: {  	_ =	strace s17  }
0x93: {  	s2 =	sld [smem:$0x3FFC];
	_ =	sdelay $0x3  }
0x94: {  	_ =	strace s2  }
0x95: {  	s2 =	sld [smem:$0x3FFD];
	_ =	sdelay $0x3  }
0x96: {  	_ =	strace s2  }
0x97: {  	_ =	strace $0x8FFFFFFF  }
0x98: {  	s18 =	sld [smem:$0x3FDB];
	_ =	sdelay $0x1  }
0x99: {  	s19 =	simm.s32 $_scs_section_size  }
0x9a: {  	s4 =	simm.s32 $_size__tile_overlayer_lowered;
	s5 =	simm.s32 $_tile_overlayer_lowered  }
0x9b: {  	s22 =	simm.s32 $0x1BFF;
	s21 =	sshll.u32 s5, $0x1;
	s2 =	sadd.s32 s19, s18  }
0x9c: {  	s6 =	simm.s32 $0x0;
	s20 =	sshll.u32 s4, $0x1;
	s4 =	sadd.s32 s21, s2  }
0x9d: {  	[timem:s6], [sflag:s22] =	dma.local [hbm:s4], s20  }
0x9e: {  	_ =	swait.ge [sflag:s22], s20  }
0x9f: {  	s3 =	ssub.s32 $0x0, s20;
	[sflag:s22] =	ssyncset.done $0x0  }
0xa0: {  	[sflag:s22] =	ssyncadd.s32 s3;
	_ =	sdelay $0x1  }
0xa1: {  	s23 =	simm.s32 $0x1B8B  }
0xa2: {  	_ =	swait.ge [sflag:s23], $0x1  }
0xa3: {  	[sflag:s23] =	ssyncset.done $0x0  }
0xa4: {  	s25 =	simm.s32 $0x1B8E;
	s24 =	sld [smem:$0x3FFE];
	[sflag:s23] =	ssyncadd.s32 $0xFFFFFFFF  }
0xa5: {  	s26 =	simm.s32 $execute0_lowered;
	[smem:$0x3FD2] =	sst s25  }
0xa6: {  	s4 =	sshll.u32 s26, $0x1;
	_ =	strace $0x8000004C;
	[dreg:$0x1] =	wrdreg $0xFFFFFFFF  }
0xa7: {  	s28 =	simm.s32 $_size_execute0_lowered;
	s2 =	sadd.s32 s2, s4;
	[dreg:$0x0] =	wrdreg $0x0  }
0xa8: {  	s4 =	sshll.u32 s28, $0x1;
	[dreg:$0x2] =	wrdreg s2  }
0xa9: {  	[dreg:$0x3] =	wrdreg s4  }
0xaa: {  	[dreg:$0x4] =	wrdreg $0xC0  }
0xab: {  	_ =	task [dreg:s6], $0x5FFFF  }
0xac: {  	[dreg:$0x1] =	wrdreg $0xFFFFFFFF  }
0xad: {  	[dreg:$0x0] =	wrdreg $0x60  }
0xae: {  	[dreg:$0x2] =	wrdreg s24  }
0xaf: {  	[dreg:$0x3] =	wrdreg $0x9  }
0xb0: {  	_ =	task.clear_ibuf [dreg:s6], $0x4FFFF;
	_ =	strace $0x9000004C  }
0xb1: {  	s29 =	simm.s32 $0x9;
	_ =	strace $0x8000004E  }
0xb2: {  	_ =	swait.ge [sflag:s29], $0x1  }
0xb3: {  	[sflag:s29] =	ssyncadd.s32 $0xFFFFFFFF  }
0xb4: {  	_ =	strace $0x9000004E  }
0xb5: {  	_ =	sfence  }
0xb6: {  	s30 =	sld [smem:$0x0];
	_ =	sdelay $0x2  }
0xb7: {  	s31 =	sshll.u32 s1, $0xD;
	s1 =	sshrl.u32 s1, $0x2  }
0xb8: {  	s3 =	sand.u32 $0x4000, s31;
	s1 =	sadd.s32 s1, s30  }
0xb9: {  	s0 =	sor.u32 s3, s0;
	s1 =	sshll.u32 s1, $0x11  }
0xba: {  	s0 =	sor.u32 s1, s0  }
0xbb: {  	s0 =	sadd.s32 $0x8F2B, s0  }
0xbc: {  	[sflag:s0] =	ssyncadd.remote.s32 $0x1  }
0xbd: {  	_ =	sfence.sel $0xFFFF  }
0xbe: {  	[dreg:$0x0] =	wrdreg $0xFFFFFFFF;
	(pc) =	sbr.abs _section_cstart, $3  }
0xbf: {  	[dreg:$0x1] =	wrdreg $0xFFFFFFFF  }
0xc0: {  	_ =	task.clear_ibuf [dreg:s6], $0x2FFFF;
	_ =	strace $0x9FFFFFFF  }
0xc1: {  	(tm) =	ssettm $0x7FFFFFFF  }
tec
execute0_lowered:
.L_overlay_start_1:
0x0: {  	(tag) =	ssettag $0x1  }
0x1: {  	s6 =	rddreg [dreg:$0x0]  }
0x2: {  	s0 =	rddreg [dreg:$0x1];
	s1 =	simm.s32 $0x0  }
0x3: {  	s5 =	srdreg.scid;
	s2 =	stileid.u32;
	s12 =	simm.s32 $0x100  }
0x4: {  	s13 =	simm.s32 $0x300;
	s14 =	simm.s32 $0x200;
	s15 =	simm.s32 $0x400  }
0x5: {  	s16 =	simm.s32 $0x0;
	[smem:$0x7FF] =	sst s1;
	s3 =	sadd.s32 $0x30FE00, s6  }
0x6: {  	s4 =	sadd.s32 $0x61D200, s6;
	s7 =	sand.u32 $0x1, s5;
	s8 =	sshll.u32 s2, $0x1  }
.Ltmp0:
0x7: {  	s5 =	sadd.s32 $0x2A00, s6;
	s6 =	sadd.s32 $0xAA00, s6;
	(pc) =	sbr.rel .LBB2_1-.Ltmp0, $4  }
0x8: {  	_ =	strace $0x8000004D;
	s9 =	ssub.s32 $0x2, s7;
	s10 =	sor.u32 s7, s8  }
0x9: {  	s31 =	sshrl.u32 s9, $0x1;
	s8 =	sshll.u32 s10, $0xA;
	s11 =	sshll.u32 s10, $0x3  }
0xa: {  	s7 =	sshll.u32 s10, $0x6;
	s10 =	simm.s32 $0x5;
	s9 =	ssub.s32 s9, s31;
	v0 =	vmov s11  }
0xb: {  	s8 =	sadd.s32 s4, s8;
	s11 =	simm.s32 $0x80;
	s9 =	smax.u32 s9, $0x1;
	v1 =	vor.u32 $0x1, v0  }
.LBB2_5:
0xc: {  	s16 =	sadd.s32 $0x1, s16  }
0xd: {  	p0 =	sne.s32 s16, s9  }
.Ltmp1:
0xe: {  	_ = 	snop;
	(pc) =	sbr.rel @!p0 .LBB2_6-.Ltmp1, $1  }
0xf: {  	_ =	sdelay $0x3  }
.LBB2_1:
0x10: {  	[tilespmem:s1], [sflag:$0x5] =	stream.linear.gather [hbm4b:s8+s1], $0x80, $0x38;
	[tilespmem:$0x500] =	vst v63  }
0x11: {  	_ =	swait.ge [sflag:s10], $0x80  }
0x12: {  	[sflag:s10] =	ssyncset.done $0x0  }
0x13: {  	[sflag:s10] =	ssyncadd.s32 $0xFFFFFF80  }
0x14: {  	v2 =	vld [tilespmem:$0x0];
	_ =	sdelay $0x1  }
0x15: {  	v3 =	vld [tilespmem:$0x10];
	_ =	sdelay $0x1  }
0x16: {  	v4 =	vld [tilespmem:$0x20]  }
0x17: {  	v2 =	vshll.u32 v2, $0x8  }
0x18: {  	v6 =	vld [tilespmem:$0x30];
	v5 =	vor.u32 v0, v2  }
0x19: {  	v3 =	vshll.u32 v3, $0x8;
	v2 =	vor.u32 v1, v2;
	[tilespmem:$0x100] =	vst v5  }
0x1a: {  	v60 =	vld [tilespmem:$0x40];
	[tilespmem:$0x200] =	vst v2;
	v2 =	vor.u32 v0, v3  }
0x1b: {  	[tilespmem:$0x110] =	vst v2;
	v2 =	vor.u32 v1, v3;
	v3 =	vshll.u32 v4, $0x8  }
0x1c: {  	v61 =	vld [tilespmem:$0x50];
	[tilespmem:$0x210] =	vst v2;
	v2 =	vor.u32 v0, v3  }
0x1d: {  	[tilespmem:$0x120] =	vst v2;
	v2 =	vor.u32 v1, v3;
	v3 =	vshll.u32 v6, $0x8  }
0x1e: {  	v62 =	vld [tilespmem:$0x60];
	[tilespmem:$0x220] =	vst v2;
	v2 =	vor.u32 v0, v3  }
0x1f: {  	[tilespmem:$0x130] =	vst v2;
	v2 =	vor.u32 v1, v3;
	v3 =	vshll.u32 v60, $0x8  }
0x20: {  	v63 =	vld [tilespmem:$0x70];
	[tilespmem:$0x230] =	vst v2;
	v2 =	vor.u32 v0, v3  }
0x21: {  	[tilespmem:$0x140] =	vst v2;
	v2 =	vor.u32 v1, v3;
	v3 =	vshll.u32 v61, $0x8  }
0x22: {  	[tilespmem:$0x240] =	vst v2;
	v2 =	vor.u32 v0, v3  }
0x23: {  	[tilespmem:$0x150] =	vst v2;
	v2 =	vor.u32 v1, v3;
	v3 =	vshll.u32 v62, $0x8  }
0x24: {  	[tilespmem:$0x250] =	vst v2;
	v2 =	vor.u32 v0, v3  }
0x25: {  	[tilespmem:$0x160] =	vst v2;
	v2 =	vor.u32 v1, v3;
	v3 =	vshll.u32 v63, $0x8  }
0x26: {  	[tilespmem:$0x260] =	vst v2;
	v2 =	vor.u32 v0, v3  }
.Ltmp2:
0x27: {  	[tilespmem:$0x170] =	vst v2;
	v2 =	vor.u32 v1, v3;
	(pc) =	sbr.rel .LBB2_2-.Ltmp2, $4  }
0x28: {  	[tilespmem:$0x270] =	vst v2  }
0x29: {  	[tilespmem:s13], [sflag:$0x1] =	stream.indirect.gather [hbm4b:s3+s11], $0x1, s12, s11, $0xb8;
	[tilespmem:$0x500] =	vst v63  }
0x2a: {  	s18 =	simm.s32 $0x0  }
0x2b: {  	[tilespmem:s15], [sflag:$0x3] =	stream.indirect.gather [hbm4b:s3+s11], $0x1, s14, s11, $0xb8;
	[tilespmem:$0x500] =	vst v63  }
.LBB2_4:
0x2c: {  	s19 =	sand.u32 $0x1, s18  }
0x2d: {  	s20 =	sadd.s32 $0x1, s19  }
0x2e: {  	_ =	swait.ge [sflag:s20], $0x80  }
0x2f: {  	[sflag:s20] =	ssyncset.done $0x0  }
0x30: {  	s29 =	sadd.s32 $0x3, s19;
	[sflag:s20] =	ssyncadd.s32 $0xFFFFFF80  }
0x31: {  	s30 =	sadd.s32 s7, s18;
	_ =	swait.ge [sflag:s29], $0x80  }
0x32: {  	s19 =	sshll.u32 s19, $0x7;
	s18 =	sshll.u32 s30, $0x4;
	[sflag:s29] =	ssyncset.done $0x0  }
0x33: {  	s31 =	sor.u32 $0x300, s19;
	s21 =	sadd.s32 s5, s18;
	[sflag:s29] =	ssyncadd.s32 $0xFFFFFF80  }
0x34: {  	[hbm4b:s21+s1] =	stream.linear.scatter [tilespmem:s31], [sflag:$0x5], $0x80, $0x38;
	[tilespmem:$0x500] =	vst v63  }
0x35: {  	_ =	swait.ge [sflag:s10], $0x80  }
0x36: {  	p0 =	sne.s32 s17, $0x40;
	s19 =	sor.u32 $0x400, s19;
	[sflag:s10] =	ssyncset.done $0x0  }
.Ltmp3:
0x37: {  	s18 =	sadd.s32 s6, s18;
	[sflag:s10] =	ssyncadd.s32 $0xFFFFFF80;
	(pc) =	sbr.rel @!p0 .LBB2_5-.Ltmp3, $4  }
0x38: {  	[hbm4b:s18+s1] =	stream.linear.scatter [tilespmem:s19], [sflag:$0x5], $0x80, $0x38;
	[tilespmem:$0x500] =	vst v63  }
0x39: {  	_ =	swait.ge [sflag:s10], $0x80  }
0x3a: {  	[sflag:s10] =	ssyncset.done $0x0  }
0x3b: {  	s18 =	smov.u32 s17;
	[sflag:s10] =	ssyncadd.s32 $0xFFFFFF80  }
.LBB2_2:
0x3c: {  	p0 =	seq.s32 s18, $0x3F  }
.Ltmp4:
0x3d: {  	_ = 	snop;
	(pc) =	sbr.rel @p0 .LBB2_4-.Ltmp4, $2  }
0x3e: {  	_ =	sdelay $0x2  }
0x3f: {  	s17 =	simm.s32 $0x40  }
0x40: {  	s17 =	sadd.s32 $0x1, s18  }
0x41: {  	s20 =	sadd.s32 s7, s17  }
0x42: {  	s21 =	sshll.u32 s20, $0x4  }
0x43: {  	s19 =	sand.u32 $0x1, s17;
	s21 =	sand.u32 $0x1FFFFFF0, s21  }
0x44: {  	s22 =	sshll.u32 s19, $0x7;
	s21 =	sadd.s32 s4, s21  }
0x45: {  	[tilespmem:s22], [sflag:$0x5] =	stream.linear.gather [hbm4b:s21+s1], $0x80, $0x38;
	[tilespmem:$0x500] =	vst v63  }
0x46: {  	_ =	swait.ge [sflag:s10], $0x80  }
0x47: {  	[sflag:s10] =	ssyncset.done $0x0  }
0x48: {  	[sflag:s10] =	ssyncadd.s32 $0xFFFFFF80  }
0x49: {  	v2 =	vld [tilespmem:s22+$0x0];
	_ =	sdelay $0x1  }
0x4a: {  	v3 =	vld [tilespmem:s22+$0x10];
	_ =	sdelay $0x1  }
0x4b: {  	s20 =	sshrl.u32 s20, $0x3;
	v4 =	vld [tilespmem:s22+$0x20]  }
0x4c: {  	s20 =	sand.u32 $0xFFFFFFE, s20;
	v2 =	vshll.u32 v2, $0x8  }
0x4d: {  	v5 =	vld [tilespmem:s22+$0x30];
	v2 =	vadd.s32 s20, v2  }
0x4e: {  	v3 =	vshll.u32 v3, $0x8;
	[tilespmem:s22+$0x100] =	vst v2;
	v2 =	vor.u32 $0x1, v2  }
0x4f: {  	[tilespmem:s22+$0x200] =	vst v2;
	v2 =	vadd.s32 s20, v3;
	v3 =	vld [tilespmem:s22+$0x40]  }
0x50: {  	v4 =	vshll.u32 v4, $0x8;
	[tilespmem:s22+$0x110] =	vst v2;
	v2 =	vor.u32 $0x1, v2  }
0x51: {  	v61 =	vld [tilespmem:s22+$0x50];
	[tilespmem:s22+$0x210] =	vst v2;
	v2 =	vadd.s32 s20, v4  }
0x52: {  	v5 =	vshll.u32 v5, $0x8;
	[tilespmem:s22+$0x120] =	vst v2;
	v2 =	vor.u32 $0x1, v2  }
0x53: {  	v62 =	vld [tilespmem:s22+$0x60];
	[tilespmem:s22+$0x220] =	vst v2;
	v2 =	vadd.s32 s20, v5  }
0x54: {  	[tilespmem:s22+$0x130] =	vst v2;
	v2 =	vor.u32 $0x1, v2;
	v3 =	vshll.u32 v3, $0x8  }
0x55: {  	[tilespmem:s22+$0x230] =	vst v2;
	v2 =	vadd.s32 s20, v3;
	v3 =	vld [tilespmem:s22+$0x70]  }
0x56: {  	v4 =	vshll.u32 v61, $0x8;
	[tilespmem:s22+$0x140] =	vst v2;
	v2 =	vor.u32 $0x1, v2  }
0x57: {  	[tilespmem:s22+$0x240] =	vst v2;
	v2 =	vadd.s32 s20, v4  }
0x58: {  	v63 =	vshll.u32 v62, $0x8;
	[tilespmem:s22+$0x150] =	vst v2;
	v2 =	vor.u32 $0x1, v2  }
0x59: {  	[tilespmem:s22+$0x250] =	vst v2;
	v2 =	vadd.s32 s20, v63  }
0x5a: {  	[tilespmem:s22+$0x160] =	vst v2;
	v2 =	vor.u32 $0x1, v2;
	v3 =	vshll.u32 v3, $0x8  }
0x5b: {  	[tilespmem:s22+$0x260] =	vst v2;
	v2 =	vadd.s32 s20, v3  }
.Ltmp5:
0x5c: {  	[tilespmem:s22+$0x170] =	vst v2;
	v2 =	vor.u32 $0x1, v2;
	(pc) =	sbr.rel .LBB2_4-.Ltmp5, $4  }
0x5d: {  	s23 =	sadd.s32 $0x1, s19;
	s28 =	sor.u32 $0x100, s22;
	s29 =	sor.u32 $0x300, s22;
	[tilespmem:s22+$0x270] =	vst v2  }
0x5e: {  	[tilespmem:s29], [sflag:s23] =	stream.indirect.gather [hbm4b:s3+s11], $0x1, s28, s11, $0xb8;
	[tilespmem:$0x500] =	vst v63  }
0x5f: {  	s19 =	sadd.s32 $0x3, s19;
	s30 =	sor.u32 $0x200, s22;
	s31 =	sor.u32 $0x400, s22  }
0x60: {  	[tilespmem:s31], [sflag:s19] =	stream.indirect.gather [hbm4b:s3+s11], $0x1, s30, s11, $0xb8;
	[tilespmem:$0x500] =	vst v63  }
.LBB2_6:
0x61: {  	_ =	sfence.sel $0x180000  }
0x62: {  	[bflag:$0x0] =	sbarrier.arrive $0xFFFF  }
0x63: {  	p0 =	sne.s32 s2, $0x0;
	_ =	strace $0x9000004D  }
0x64: {  	s0 =	sadd.s32 @!p0 $0x100000, s0;
	[bflag:$0x2] =	sbarrier.arrive $0xFFFF  }
0x65: {  	[sflag:s0] =	ssyncadd.tile.s32 @!p0 $0x1;
	_ =	shalt  }
.Lfunc_end2:
_tile_overlayer_lowered:
.L_overlay_start_2:
0x66: {  	(tag) =	ssettag $0x2  }
0x67: {  	s0 =	rddreg [dreg:$0x0];
	s2 =	stileid.u32  }
0x68: {  	s1 =	rddreg [dreg:$0x1];
	p0 =	sne.s32 s2, $0x0  }
0x69: {  	s3 =	rddreg [dreg:$0x2];
	[bflag:$0x3] =	sbarrier.arrive $0xFFFF;
	s2 =	simm.s32 @!p0 $0x1C05  }
0x6a: {  	[timem:s3], [sflag:s2] =	dma.local @!p0 [hbm:s0], s1  }
0x6b: {  	s0 =	simm.s32 @!p0 $0x5  }
0x6c: {  	_ =	swait.ge @!p0 [sflag:s0], s1  }
0x6d: {  	s1 =	ssub.s32 @!p0 $0x0, s1;
	[sflag:s0] =	ssyncset.done @!p0 $0x0  }
0x6e: {  	[sflag:s0] =	ssyncadd.s32 @!p0 s1  }
0x6f: {  	[bflag:$0x3] =	sbarrier.arrive $0xFFFF  }
0x70: {  	_ =	shalt  }

// kernel: kernel.7.cloned.1.call-start
scs
__scs_entry_jumppad:
0x0: {  	(pc) =	sbr.rel $0x88, $3  }
0x1: {  	(tag) =	ssettag $0x0;
	lr =	simm.s32 $0x1  }
0x2: {  	[smem:$0x3F98] =	sst lr;
	_ =	strace $0xD0000000  }
0x3: {  	_ = 	snop  }
0x4: {  	_ = 	snop  }
0x5: {  	_ = 	snop  }
0x6: {  	_ = 	snop  }
0x7: {  	_ = 	snop  }
__scs_overlays_trampoline_lowered:
0x8: {  	[smem:$0x3FA7] =	sst s0  }
0x9: {  	[smem:$0x3FA8] =	sst s1  }
0xa: {  	[smem:$0x3FA9] =	sst s2  }
0xb: {  	[smem:$0x3FAA] =	sst s3  }
0xc: {  	[smem:$0x3FAB] =	sst s4  }
0xd: {  	[smem:$0x3FAC] =	sst s5  }
0xe: {  	[smem:$0x3FAD] =	sst s6  }
0xf: {  	[smem:$0x3FAE] =	sst s7  }
0x10: {  	[smem:$0x3FAF] =	sst s8  }
0x11: {  	[smem:$0x3FB0] =	sst s9;
	s0 =	simm.s32 @!p0 $0x0  }
0x12: {  	s1 =	sld [smem:$0x3F96];
	s0 =	simm.s32 @p0 $0x1  }
0x13: {  	[smem:$0x3FB1] =	sst s0;
	s0 =	simm.s32 @!p1 $0x0  }
0x14: {  	s2 =	sld [smem:$0x3F95];
	s0 =	simm.s32 @p1 $0x1  }
0x15: {  	[smem:$0x3FB2] =	sst s0;
	s0 =	simm.s32 @!p2 $0x0  }
0x16: {  	s3 =	sld [smem:$0x3FDB];
	s0 =	simm.s32 @p2 $0x1  }
0x17: {  	s4 =	simm.s32 $0x1BF5;
	[smem:$0x3FB4] =	sst s0  }
0x18: {  	s0 =	sld [smem:$0x3F97];
	_ =	swait.ge [sflag:s4], $0x0  }
0x19: {  	s7 =	sld [smem:$0x3F98]  }
0x1a: {  	s8 =	sadd.s32 $0xFFFFE003, lr  }
0x1b: {  	s9 =	sadd.s32 $0xFFFFFEF7, lr;
	s5 =	simm.s32 $0xFFFFFFFF;
	p2 =	slt.u32 s8, $0xFFFFF086  }
0x1c: {  	p1 =	slt.u32 s9, $0xF7A;
	s5 =	simm.s32 @!p2 $0x0  }
0x1d: {  	s5 =	simm.s32 @p1 $0x1;
	p0 =	seq.s32 s7, s2  }
0x1e: {  	s7 =	smul.u32 @!p0 $0xF7A, s2;
	p2 =	seq.s32 @!p0 s5, $0x0  }
0x1f: {  	s9 =	smul.u32 $0xF7A, s1;
	s8 =	simm.s32 @!p0 $0x1BF5;
	p2 =	por !p2, p0  }
0x20: {  	[sflag:s8] =	ssyncset.s32 @!p0 $0xFFFFF086;
	s6 =	sadd.s32 @!p0 s3, s7;
	s7 =	simm.s32 @!p0 $0x108  }
0x21: {  	s3 =	sadd.s32 s3, s9;
	s6 =	sadd.s32 @!p0 $0x88, s6;
	s7 =	simm.s32 @p2 $0x1082  }
0x22: {  	[simem:s7], [sflag:s8] =	dma.local @!p0 [hbm:s6], $0xF7A  }
0x23: {  	s9 =	sor.u32 $0xD0000000, s2;
	s6 =	simm.s32 $0x108;
	_ =	swait.ge @!p0 [sflag:s8], $0x0  }
0x24: {  	s3 =	sadd.s32 $0x88, s3;
	s6 =	simm.s32 @!p1 $0x1082;
	[sflag:s4] =	ssyncset.s32 $0xFFFFF086  }
0x25: {  	[simem:s6], [sflag:s4] =	dma.local [hbm:s3], $0xF7A  }
0x26: {  	[smem:$0x3F98] =	sst s1;
	(tag) =	ssettag s2;
	_ =	strace s9  }
0x27: {  	s1 =	sld [smem:$0x3FA8]  }
0x28: {  	s2 =	sld [smem:$0x3FA9]  }
0x29: {  	s4 =	sld [smem:$0x3FAB]  }
0x2a: {  	p0 =	seq.s32 s5, $0x0;
	s5 =	sld [smem:$0x3FAC]  }
0x2b: {  	s6 =	sld [smem:$0x3FAD]  }
0x2c: {  	s7 =	sld [smem:$0x3FAE]  }
0x2d: {  	s3 =	simm.s32 $0x108;
	s8 =	sld [smem:$0x3FAF]  }
0x2e: {  	s3 =	simm.s32 @!p0 $0x1082;
	s9 =	sld [smem:$0x3FB0]  }
0x2f: {  	lr =	sadd.s32 s0, s3;
	s0 =	sld [smem:$0x3FA7]  }
0x30: {  	s3 =	sld [smem:$0x3FAA]  }
0x31: {  	[smem:$0x3FB3] =	sst s10  }
0x32: {  	s10 =	sld [smem:$0x3FB1];
	_ =	sdelay $0x3  }
0x33: {  	p0 =	seq.s32 s10, $0x1;
	s10 =	sld [smem:$0x3FB3];
	_ =	sdelay $0x3  }
0x34: {  	[smem:$0x3FB3] =	sst s10  }
0x35: {  	s10 =	sld [smem:$0x3FB2];
	_ =	sdelay $0x3  }
0x36: {  	p1 =	seq.s32 s10, $0x1;
	s10 =	sld [smem:$0x3FB3];
	_ =	sdelay $0x3  }
0x37: {  	[smem:$0x3FB3] =	sst s10  }
0x38: {  	s10 =	sld [smem:$0x3FB4]  }
0x39: {  	_ = 	snop;
	(pc) =	sbr.ind lr, $3  }
0x3a: {  	_ = 	snop  }
0x3b: {  	_ = 	snop  }
0x3c: {  	p2 =	seq.s32 s10, $0x1;
	s10 =	sld [smem:$0x3FB3]  }
0x3d: {  	_ =	shalt  }
0x3e: {  	_ =	shalt  }
0x3f: {  	_ =	shalt  }
0x40: {  	_ =	shalt  }
0x41: {  	_ =	shalt  }
0x42: {  	_ =	shalt  }
0x43: {  	_ =	shalt  }
0x44: {  	_ =	shalt  }
0x45: {  	_ =	shalt  }
0x46: {  	_ =	shalt  }
0x47: {  	_ =	shalt  }
0x48: {  	_ =	shalt  }
0x49: {  	_ =	shalt  }
0x4a: {  	_ =	shalt  }
0x4b: {  	_ =	shalt  }
0x4c: {  	_ =	shalt  }
0x4d: {  	_ =	shalt  }
0x4e: {  	_ =	shalt  }
0x4f: {  	_ =	shalt  }
0x50: {  	_ =	shalt  }
0x51: {  	_ =	shalt  }
0x52: {  	_ =	shalt  }
0x53: {  	_ =	shalt  }
0x54: {  	_ =	shalt  }
0x55: {  	_ =	shalt  }
0x56: {  	_ =	shalt  }
0x57: {  	_ =	shalt  }
0x58: {  	_ =	shalt  }
0x59: {  	_ =	shalt  }
0x5a: {  	_ =	shalt  }
0x5b: {  	_ =	shalt  }
0x5c: {  	_ =	shalt  }
0x5d: {  	_ =	shalt  }
0x5e: {  	_ =	shalt  }
0x5f: {  	_ =	shalt  }
0x60: {  	_ =	shalt  }
0x61: {  	_ =	shalt  }
0x62: {  	_ =	shalt  }
0x63: {  	_ =	shalt  }
0x64: {  	_ =	shalt  }
0x65: {  	_ =	shalt  }
0x66: {  	_ =	shalt  }
0x67: {  	_ =	shalt  }
0x68: {  	_ =	shalt  }
0x69: {  	_ =	shalt  }
0x6a: {  	_ =	shalt  }
0x6b: {  	_ =	shalt  }
0x6c: {  	_ =	shalt  }
0x6d: {  	_ =	shalt  }
0x6e: {  	_ =	shalt  }
0x6f: {  	_ =	shalt  }
0x70: {  	_ =	shalt  }
0x71: {  	_ =	shalt  }
0x72: {  	_ =	shalt  }
0x73: {  	_ =	shalt  }
0x74: {  	_ =	shalt  }
0x75: {  	_ =	shalt  }
0x76: {  	_ =	shalt  }
0x77: {  	_ =	shalt  }
0x78: {  	_ =	shalt  }
0x79: {  	_ =	shalt  }
0x7a: {  	_ =	shalt  }
0x7b: {  	_ =	shalt  }
0x7c: {  	_ =	shalt  }
0x7d: {  	_ =	shalt  }
0x7e: {  	_ =	shalt  }
0x7f: {  	_ =	shalt  }
0x80: {  	_ =	shalt  }
0x81: {  	_ =	shalt  }
0x82: {  	_ =	shalt  }
0x83: {  	_ =	shalt  }
0x84: {  	_ =	shalt  }
0x85: {  	_ =	shalt  }
0x86: {  	_ =	shalt  }
0x87: {  	_ =	shalt  }
.Lfunc_end0:
.L_simem_size_0:
called_computation.1_lowered:
.L_overlay_start_0:
0x88: {  	s2 =	sld [smem:$0x3FD9]  }
0x89: {  	s3 =	sld [smem:$0x3FFE];
	_ =	sdelay $0x1  }
0x8a: {  	s1 =	srdreg.scid  }
0x8b: {  	s0 =	sand.u32 $0x1, s1  }
0x8c: {  	s17 =	sshll.u32 s0, $0xA;
	s2 =	sadd.s32 s3, s2  }
0x8d: {  	s2 =	sadd.s32 s2, s17  }
0x8e: {  	[smem:$0x3FBF] =	sst s2  }
0x8f: {  	_ = 	snop  }
0x90: {  	s2 =	sld [smem:$0x3FC7]  }
0x91: {  	s18 =	sld [smem:$0x3FC2];
	(tm) =	ssettm $0x1  }
0x92: {  	s4 =	sld [smem:$0x3FFB];
	_ =	sdelay $0x3  }
0x93: {  	_ =	strace s4  }
0x94: {  	s4 =	sld [smem:$0x3FFC];
	_ =	sdelay $0x3  }
0x95: {  	_ =	strace s4  }
0x96: {  	s4 =	sld [smem:$0x3FFD];
	_ =	sdelay $0x3  }
0x97: {  	_ =	strace s4  }
0x98: {  	_ =	strace $0x8FFFFFFF  }
0x99: {  	s19 =	sld [smem:$0x3FDB];
	_ =	sdelay $0x1  }
0x9a: {  	s5 =	simm.s32 $_scs_section_size  }
0x9b: {  	s6 =	simm.s32 $_size__tile_overlayer_lowered;
	s7 =	simm.s32 $_tile_overlayer_lowered  }
0x9c: {  	s22 =	simm.s32 $0x1BFF;
	s21 =	sshll.u32 s7, $0x1;
	s4 =	sadd.s32 s5, s19  }
0x9d: {  	s8 =	simm.s32 $0x0;
	s20 =	sshll.u32 s6, $0x1;
	s6 =	sadd.s32 s21, s4  }
0x9e: {  	[timem:s8], [sflag:s22] =	dma.local [hbm:s6], s20  }
0x9f: {  	_ =	swait.ge [sflag:s22], s20  }
0xa0: {  	s5 =	ssub.s32 $0x0, s20;
	[sflag:s22] =	ssyncset.done $0x0  }
0xa1: {  	[sflag:s22] =	ssyncadd.s32 s5;
	_ =	sdelay $0x1  }
0xa2: {  	s23 =	simm.s32 $0x1B8B  }
0xa3: {  	_ =	swait.ge [sflag:s23], $0x1  }
0xa4: {  	[sflag:s23] =	ssyncset.done $0x0  }
0xa5: {  	s25 =	simm.s32 $0x1B8E;
	s24 =	sld [smem:$0x3FFE];
	[sflag:s23] =	ssyncadd.s32 $0xFFFFFFFF  }
0xa6: {  	s26 =	simm.s32 $execute0_lowered;
	[smem:$0x3FD2] =	sst s25  }
0xa7: {  	s6 =	sshll.u32 s26, $0x1;
	_ =	strace $0x80000046;
	[dreg:$0x1] =	wrdreg $0xFFFFFFFF  }
0xa8: {  	s28 =	simm.s32 $_size_execute0_lowered;
	s4 =	sadd.s32 s4, s6;
	[dreg:$0x0] =	wrdreg $0x0  }
0xa9: {  	s6 =	sshll.u32 s28, $0x1;
	[dreg:$0x2] =	wrdreg s4  }
0xaa: {  	[dreg:$0x3] =	wrdreg s6  }
0xab: {  	[dreg:$0x4] =	wrdreg $0xC0  }
0xac: {  	_ =	task [dreg:s8], $0x5FFFF  }
0xad: {  	[dreg:$0x1] =	wrdreg $0xFFFFFFFF  }
0xae: {  	[dreg:$0x0] =	wrdreg $0x60  }
0xaf: {  	[dreg:$0x2] =	wrdreg s2  }
0xb0: {  	[dreg:$0x3] =	wrdreg s18  }
0xb1: {  	[dreg:$0x4] =	wrdreg s24  }
0xb2: {  	[dreg:$0x5] =	wrdreg $0x9  }
0xb3: {  	_ =	task.clear_ibuf [dreg:s8], $0x6FFFF;
	_ =	strace $0x90000046  }
0xb4: {  	s29 =	simm.s32 $0x9;
	_ =	strace $0x80000048  }
0xb5: {  	_ =	swait.ge [sflag:s29], $0x1  }
0xb6: {  	[sflag:s29] =	ssyncadd.s32 $0xFFFFFFFF  }
0xb7: {  	_ =	strace $0x90000048  }
0xb8: {  	_ =	sfence  }
0xb9: {  	s30 =	sld [smem:$0x0];
	_ =	sdelay $0x2  }
0xba: {  	s31 =	sshll.u32 s1, $0xD;
	s1 =	sshrl.u32 s1, $0x2  }
0xbb: {  	s3 =	sand.u32 $0x4000, s31;
	s1 =	sadd.s32 s1, s30  }
0xbc: {  	s0 =	sor.u32 s3, s0;
	s1 =	sshll.u32 s1, $0x11  }
0xbd: {  	s0 =	sor.u32 s1, s0  }
0xbe: {  	s0 =	sadd.s32 $0x8F2B, s0  }
0xbf: {  	[sflag:s0] =	ssyncadd.remote.s32 $0x1  }
0xc0: {  	_ =	sfence.sel $0xFFFF  }
0xc1: {  	[dreg:$0x0] =	wrdreg $0xFFFFFFFF;
	(pc) =	sbr.abs _section_cstart, $3  }
0xc2: {  	[dreg:$0x1] =	wrdreg $0xFFFFFFFF  }
0xc3: {  	_ =	task.clear_ibuf [dreg:s8], $0x2FFFF;
	_ =	strace $0x9FFFFFFF  }
0xc4: {  	(tm) =	ssettm $0x7FFFFFFF  }
0xc5: {  	_ =	shalt  }
tec
execute0_lowered:
.L_overlay_start_1:
0x0: {  	(tag) =	ssettag $0x1  }
0x1: {  	s1 =	stileid.u32  }
0x2: {  	p0 =	sgt.u32 s1, $0x7  }
.Ltmp0:
0x3: {  	s2 =	rddreg [dreg:$0x0];
	(pc) =	sbr.rel @p0 .LBB2_4-.Ltmp0, $4  }
0x4: {  	s4 =	rddreg [dreg:$0x1]  }
0x5: {  	s9 =	rddreg [dreg:$0x2];
	s3 =	simm.s32 $0x0  }
0x6: {  	[smem:$0x7FF] =	sst s3  }
0x7: {  	s0 =	rddreg [dreg:$0x3];
	_ =	strace $0x80000047  }
0x8: {  	s5 =	srdreg.scid  }
0x9: {  	s30 =	sshll.u32 s1, $0x1;
	s6 =	sand.u32 $0x1, s5  }
0xa: {  	s7 =	simm.s32 $0x80;
	s8 =	simm.s32 $0x1;
	s10 =	sor.u32 s6, s30  }
0xb: {  	s11 =	ssub.s32 $0x2, s6;
	s5 =	sadd.s32 s4, s10;
	s4 =	simm.s32 $0x2  }
0xc: {  	[tilespmem:s3], [sflag:$0x2] =	stream.linear.gather [hbm4b:s5+s3], $0x8, $0x38;
	[tilespmem:$0x480] =	vst v63  }
0xd: {  	s6 =	simm.s32 $0x8;
	s12 =	sshrl.u32 s11, $0x1;
	_ =	swait.ge [sflag:s4], $0x8  }
0xe: {  	s10 =	sshll.u32 s10, $0x7;
	s31 =	ssub.s32 s11, s12;
	[sflag:s4] =	ssyncset.done $0x0  }
0xf: {  	s9 =	sadd.s32 s10, s9;
	s10 =	smax.u32 s31, $0x1;
	[sflag:s4] =	ssyncadd.s32 $0xFFFFFFF8  }
0x10: {  	[tilespmem:s7], [sflag:$0x1] =	stream.indirect.gather [hbm4b:s2+s6], $0x80, s3, s6, $0xb8;
	[tilespmem:$0x480] =	vst v63  }
0x11: {  	p0 =	sne.s32 s10, $0x1;
	_ =	swait.ge [sflag:s8], $0x400  }
.Ltmp1:
0x12: {  	[sflag:s8] =	ssyncset.done $0x0;
	(pc) =	sbr.rel @!p0 .LBB2_3-.Ltmp1, $4  }
0x13: {  	s9 =	sadd.s32 $0x2A00, s9;
	[sflag:s8] =	ssyncadd.s32 $0xFFFFFC00  }
0x14: {  	[hbm4b:s9+s3] =	stream.linear.scatter [tilespmem:s7], [sflag:$0x2], $0x400, $0x38;
	[tilespmem:$0x480] =	vst v63  }
0x15: {  	_ =	swait.ge [sflag:s4], $0x400  }
0x16: {  	s10 =	sadd.s32 $0xFFFFFFFF, s10;
	[sflag:s4] =	ssyncset.done $0x0  }
.LBB2_2:
0x17: {  	p0 =	sne.s32 s10, $0x1;
	s10 =	sadd.s32 $0xFFFFFFFF, s10;
	[sflag:s4] =	ssyncadd.s32 $0xFFFFFC00  }
0x18: {  	[tilespmem:s3], [sflag:$0x2] =	stream.linear.gather [hbm4b:s5+s3], $0x8, $0x38;
	[tilespmem:$0x480] =	vst v63  }
0x19: {  	_ =	swait.ge [sflag:s4], $0x8  }
0x1a: {  	[sflag:s4] =	ssyncset.done $0x0  }
0x1b: {  	[sflag:s4] =	ssyncadd.s32 $0xFFFFFFF8  }
0x1c: {  	[tilespmem:s7], [sflag:$0x1] =	stream.indirect.gather [hbm4b:s2+s6], $0x80, s3, s6, $0xb8;
	[tilespmem:$0x480] =	vst v63  }
0x1d: {  	_ =	swait.ge [sflag:s8], $0x400  }
.Ltmp2:
0x1e: {  	[sflag:s8] =	ssyncset.done $0x0;
	(pc) =	sbr.rel @p0 .LBB2_2-.Ltmp2, $4  }
0x1f: {  	[sflag:s8] =	ssyncadd.s32 $0xFFFFFC00  }
0x20: {  	[hbm4b:s9+s3] =	stream.linear.scatter [tilespmem:s7], [sflag:$0x2], $0x400, $0x38;
	[tilespmem:$0x480] =	vst v63  }
0x21: {  	_ =	swait.ge [sflag:s4], $0x400  }
0x22: {  	[sflag:s4] =	ssyncset.done $0x0  }
.LBB2_3:
0x23: {  	[sflag:s4] =	ssyncadd.s32 $0xFFFFFC00  }
.LBB2_4:
0x24: {  	_ =	sfence.sel $0x180000  }
0x25: {  	[bflag:$0x0] =	sbarrier.arrive $0xFFFF  }
0x26: {  	p0 =	sne.s32 s1, $0x0;
	_ =	strace $0x90000047  }
0x27: {  	s0 =	sadd.s32 @!p0 $0x100000, s0;
	[bflag:$0x2] =	sbarrier.arrive $0xFFFF  }
0x28: {  	[sflag:s0] =	ssyncadd.tile.s32 @!p0 $0x1;
	_ =	shalt  }
.Lfunc_end2:
_tile_overlayer_lowered:
.L_overlay_start_2:
0x29: {  	(tag) =	ssettag $0x2  }
0x2a: {  	s0 =	rddreg [dreg:$0x0];
	s2 =	stileid.u32  }
0x2b: {  	s1 =	rddreg [dreg:$0x1];
	p0 =	sne.s32 s2, $0x0  }
0x2c: {  	s3 =	rddreg [dreg:$0x2];
	[bflag:$0x3] =	sbarrier.arrive $0xFFFF;
	s2 =	simm.s32 @!p0 $0x1C02  }
0x2d: {  	[timem:s3], [sflag:s2] =	dma.local @!p0 [hbm:s0], s1  }
0x2e: {  	s0 =	simm.s32 @!p0 $0x2  }
0x2f: {  	_ =	swait.ge @!p0 [sflag:s0], s1  }
0x30: {  	s1 =	ssub.s32 @!p0 $0x0, s1;
	[sflag:s0] =	ssyncset.done @!p0 $0x0  }
0x31: {  	[sflag:s0] =	ssyncadd.s32 @!p0 s1  }
0x32: {  	[bflag:$0x3] =	sbarrier.arrive $0xFFFF  }
0x33: {  	_ =	shalt  }

// kernel: sparse-core-data-format-call.cloned.1.call-start
scs
called_computation_lowered:
.L_overlay_start_0:
0x0: {  	s1 =	sld [smem:$0x3FD9]  }
0x1: {  	s2 =	sld [smem:$0x3FFE];
	_ =	sdelay $0x1  }
0x2: {  	s3 =	srdreg.scid  }
0x3: {  	s0 =	sand.u32 $0x1, s3  }
0x4: {  	s17 =	sshll.u32 s0, $0xA;
	s1 =	sadd.s32 s2, s1  }
0x5: {  	s1 =	sadd.s32 s1, s17  }
0x6: {  	[smem:$0x3FBF] =	sst s1  }
0x7: {  	_ = 	snop  }
0x8: {  	(tm) =	ssettm $0x1  }
0x9: {  	s18 =	sld [smem:$0x3FFB];
	_ =	sdelay $0x3  }
0xa: {  	_ =	strace s18  }
0xb: {  	s1 =	sld [smem:$0x3FFC];
	_ =	sdelay $0x3  }
0xc: {  	_ =	strace s1  }
0xd: {  	s1 =	sld [smem:$0x3FFD];
	_ =	sdelay $0x3  }
0xe: {  	_ =	strace s1  }
0xf: {  	_ =	strace $0x8FFFFFFF  }
0x10: {  	s19 =	sld [smem:$0x3FDB];
	_ =	sdelay $0x1  }
0x11: {  	s20 =	simm.s32 $_scs_section_size  }
0x12: {  	s4 =	simm.s32 $_size__tile_overlayer_lowered;
	s5 =	simm.s32 $_tile_overlayer_lowered  }
0x13: {  	s23 =	simm.s32 $0x1BFF;
	s22 =	sshll.u32 s5, $0x1;
	s1 =	sadd.s32 s20, s19  }
0x14: {  	s6 =	simm.s32 $0x0;
	s21 =	sshll.u32 s4, $0x1;
	s4 =	sadd.s32 s22, s1  }
0x15: {  	[timem:s6], [sflag:s23] =	dma.local [hbm:s4], s21  }
0x16: {  	_ =	swait.ge [sflag:s23], s21  }
0x17: {  	s2 =	ssub.s32 $0x0, s21;
	[sflag:s23] =	ssyncset.done $0x0  }
0x18: {  	[sflag:s23] =	ssyncadd.s32 s2;
	_ =	sdelay $0x1  }
0x19: {  	s24 =	simm.s32 $0x1B8B  }
0x1a: {  	_ =	swait.ge [sflag:s24], $0x1  }
0x1b: {  	[sflag:s24] =	ssyncset.done $0x0  }
0x1c: {  	s26 =	simm.s32 $0x1B8E;
	s25 =	sld [smem:$0x3FFE];
	[sflag:s24] =	ssyncadd.s32 $0xFFFFFFFF  }
0x1d: {  	s27 =	simm.s32 $execute0_lowered;
	[smem:$0x3FD2] =	sst s26  }
0x1e: {  	s4 =	sshll.u32 s27, $0x1;
	_ =	strace $0x80000049;
	[dreg:$0x1] =	wrdreg $0xFFFFFFFF  }
0x1f: {  	s28 =	simm.s32 $_size_execute0_lowered;
	s1 =	sadd.s32 s1, s4;
	[dreg:$0x0] =	wrdreg $0x0  }
0x20: {  	s4 =	sshll.u32 s28, $0x1;
	[dreg:$0x2] =	wrdreg s1  }
0x21: {  	[dreg:$0x3] =	wrdreg s4  }
0x22: {  	[dreg:$0x4] =	wrdreg $0xC0  }
0x23: {  	_ =	task [dreg:s6], $0x5FFFF  }
0x24: {  	[dreg:$0x1] =	wrdreg $0xFFFFFFFF  }
0x25: {  	[dreg:$0x0] =	wrdreg $0x60  }
0x26: {  	[dreg:$0x2] =	wrdreg s25  }
0x27: {  	[dreg:$0x3] =	wrdreg $0x9  }
0x28: {  	_ =	task.clear_ibuf [dreg:s6], $0x4FFFF;
	_ =	strace $0x90000049  }
0x29: {  	s29 =	simm.s32 $0x9;
	_ =	strace $0x8000004B  }
0x2a: {  	_ =	swait.ge [sflag:s29], $0x1  }
0x2b: {  	[sflag:s29] =	ssyncadd.s32 $0xFFFFFFFF  }
0x2c: {  	_ =	strace $0x9000004B  }
0x2d: {  	_ =	sfence  }
0x2e: {  	s30 =	sld [smem:$0x0];
	_ =	sdelay $0x2  }
0x2f: {  	s31 =	sshll.u32 s3, $0xD;
	s3 =	sshrl.u32 s3, $0x2  }
0x30: {  	s2 =	sand.u32 $0x4000, s31;
	s1 =	sadd.s32 s3, s30  }
0x31: {  	s0 =	sor.u32 s2, s0;
	s1 =	sshll.u32 s1, $0x11  }
0x32: {  	s0 =	sor.u32 s1, s0  }
0x33: {  	s0 =	sadd.s32 $0x8F2B, s0  }
0x34: {  	[sflag:s0] =	ssyncadd.remote.s32 $0x1  }
0x35: {  	_ =	sfence.sel $0xFFFF  }
0x36: {  	[dreg:$0x0] =	wrdreg $0xFFFFFFFF;
	(pc) =	sbr.abs _section_cstart, $3  }
0x37: {  	[dreg:$0x1] =	wrdreg $0xFFFFFFFF  }
0x38: {  	_ =	task.clear_ibuf [dreg:s6], $0x2FFFF;
	_ =	strace $0x9FFFFFFF  }
0x39: {  	(tm) =	ssettm $0x7FFFFFFF  }
tec
execute0_lowered:
.L_overlay_start_1:
0x0: {  	(tag) =	ssettag $0x1  }
0x1: {  	s0 =	srdreg.scid  }
0x2: {  	s5 =	rddreg [dreg:$0x0];
	s1 =	stileid.u32;
	s4 =	simm.s32 $0x1  }
0x3: {  	s6 =	simm.s32 $0x2;
	s8 =	simm.s32 $0x0;
	s2 =	sshll.u32 s0, $0x4  }
0x4: {  	s9 =	simm.s32 $0x0;
	s13 =	simm.s32 $0x0;
	s2 =	sand.u32 $0x10, s2  }
.Ltmp0:
0x5: {  	s10 =	simm.s32 $0x0;
	s3 =	sor.u32 s1, s2;
	(pc) =	sbr.rel .LBB1_1-.Ltmp0, $4  }
0x6: {  	s0 =	rddreg [dreg:$0x1];
	_ =	strace $0x8000004A;
	s3 =	sshll.u32 s3, $0x3  }
0x7: {  	s12 =	simm.s32 $0x0;
	[sflag:s4] =	ssyncpa.u1 $0x0;
	s7 =	ssub.s32 $0x30D0, s3  }
0x8: {  	s2 =	sadd.s32 $0x2A00, s5;
	[sflag:s6] =	ssyncpa.u1 $0x0;
	s6 =	sshrl.u32 s7, $0x8  }
0x9: {  	s5 =	sadd.s32 $0x30FE00, s5;
	s11 =	smov.u32 s3;
	s7 =	sadd.s32 $0x2, s6  }
.LBB1_9:
0xa: {  	s15 =	sshll.u32 s12, $0xE  }
0xb: {  	s16 =	sshll.u32 s10, $0x8;
	s15 =	sand.u32 $0x4000, s15  }
0xc: {  	s16 =	sadd.s32 s5, s16;
	s15 =	sor.u32 $0x8000, s15  }
0xd: {  	[hbm4b:s16+s8] =	stream.linear.scatter [tilespmem:s15], [sflag:$0x2], s14, $0x38;
	[tilespmem:$0x10000] =	vst v63  }
.LBB1_10:
0xe: {  	p0 =	slt.u32 s12, $0x2  }
0xf: {  	p1 =	sgt.s32 @!p0 s13, $0x30CC  }
0x10: {  	s14 =	smov.u32 s13;
	s15 =	sshra.s32 @!p0 s13, $0x1F;
	p1 =	por !p1, p0  }
0x11: {  	s13 =	sand.u32 @!p0 s15, s13;
	s14 =	simm.s32 @p1 $0x30CC  }
0x12: {  	s13 =	ssub.s32 @!p0 s14, s13  }
0x13: {  	s13 =	sadd.s32 @!p0 $0xFFFFCF34, s13  }
0x14: {  	s14 =	sshll.u32 @!p0 s13, $0xD  }
0x15: {  	p1 =	sgt.s32 @!p0 s13, $0x7;
	s13 =	ssub.s32 @!p0 $0x10000, s14  }
0x16: {  	s15 =	sadd.s32 $0x100, s11;
	p1 =	por !p1, p0;
	s13 =	sshrl.u32 @!p0 s13, $0x2  }
0x17: {  	s13 =	simm.s32 @!p1 $0x0;
	p1 =	sgt.s32 s15, $0x30D3  }
0x18: {  	s15 =	smov.u32 @p1 s3;
	p1 =	sne.s32 s12, s7  }
.Ltmp1:
0x19: {  	_ = 	snop;
	(pc) =	sbr.rel @!p1 .LBB1_11-.Ltmp1, $4  }
0x1a: {  	s14 =	simm.s32 @!p0 $0x2  }
0x1b: {  	s9 =	sadd.s32 $0x4000, s9;
	_ =	swait.ge @!p0 [sflag:s14], s13;
	s16 =	ssub.s32 @!p0 $0x0, s13  }
0x1c: {  	s13 =	smov.u32 s10;
	s12 =	sadd.s32 $0x1, s12;
	[sflag:s14] =	ssyncset.done @!p0 $0x0  }
0x1d: {  	s10 =	smov.u32 s11;
	s11 =	smov.u32 s15;
	[sflag:s14] =	ssyncadd.s32 @!p0 s16  }
.LBB1_1:
0x1e: {  	p0 =	sgt.u32 s12, s6  }
0x1f: {  	p1 =	sgt.s32 @!p0 s11, $0x30CC  }
0x20: {  	s14 =	smov.u32 s11;
	s15 =	sshra.s32 @!p0 s11, $0x1F;
	p1 =	por !p1, p0  }
0x21: {  	s15 =	sand.u32 @!p0 s15, s11;
	s14 =	simm.s32 @p1 $0x30CC  }
0x22: {  	s14 =	ssub.s32 @!p0 s14, s15  }
0x23: {  	s14 =	sadd.s32 @!p0 $0xFFFFCF34, s14  }
0x24: {  	s17 =	simm.s32 @!p0 $0x0;
	s15 =	sxor.u32 @!p0 $0xFFFFFFFF, s12;
	s16 =	sshll.u32 @!p0 s14, $0xD  }
0x25: {  	s15 =	sshll.u32 @!p0 s15, $0xE;
	p1 =	sgt.s32 @!p0 s14, $0x7;
	s14 =	ssub.s32 @!p0 $0x10000, s16  }
0x26: {  	p1 =	por !p1, p0;
	s16 =	sshll.u32 @!p0 s11, $0x8;
	s14 =	sshrl.u32 @!p0 s14, $0x2  }
0x27: {  	s15 =	sand.u32 @!p0 $0x4000, s15;
	s16 =	sadd.s32 @!p0 s2, s16;
	s14 =	simm.s32 @!p1 $0x0  }
0x28: {  	[tilespmem:s15], [sflag:$0x1] =	stream.linear.gather @!p0 [hbm4b:s16+s17], s14, $0x38;
	[tilespmem:$0x10000] =	vst v63  }
0x29: {  	p0 =	seq.s32 s12, $0x0  }
0x2a: {  	p1 =	sge.u32 @!p0 s12, s7  }
0x2b: {  	p0 =	por p0, p1  }
.Ltmp2:
0x2c: {  	_ = 	snop;
	(pc) =	sbr.rel @p0 .LBB1_10-.Ltmp2, $1  }
0x2d: {  	_ =	sdelay $0x3  }
0x2e: {  	p0 =	sgt.s32 s10, $0x30CC;
	s14 =	smov.u32 s10;
	s15 =	sshra.s32 s10, $0x1F  }
0x2f: {  	s14 =	simm.s32 @!p0 $0x30CC;
	s15 =	sand.u32 s15, s10  }
0x30: {  	s14 =	ssub.s32 s14, s15  }
0x31: {  	s16 =	sadd.s32 $0x8, s10;
	s14 =	sadd.s32 $0xFFFFCF34, s14  }
0x32: {  	p1 =	slt.s32 s16, $0x30D4;
	s30 =	sshll.u32 s14, $0xD  }
0x33: {  	s16 =	simm.s32 @!p1 $0x30D4;
	s15 =	ssub.s32 $0x10000, s30  }
0x34: {  	p0 =	sgt.s32 s14, $0x7;
	s14 =	sshrl.u32 s15, $0x2;
	s15 =	ssub.s32 s16, s10  }
0x35: {  	s14 =	simm.s32 @p0 $0x0;
	p0 =	slt.s32 s15, $0x1  }
.Ltmp3:
0x36: {  	_ = 	snop;
	(pc) =	sbr.rel @p0 .LBB1_9-.Ltmp3, $4  }
0x37: {  	_ = 	snop  }
0x38: {  	_ =	swait.ge [sflag:s4], s14  }
0x39: {  	s31 =	ssub.s32 $0x0, s14;
	[sflag:s4] =	ssyncset.done $0x0  }
0x3a: {  	[sflag:s4] =	ssyncadd.s32 s31  }
0x3b: {  	s16 =	sshll.u32 s9, $0x2  }
0x3c: {  	s16 =	sand.u32 $0x10000, s16  }
0x3d: {  	s16 =	sshrl.u32 s16, $0x2  }
0x3e: {  	s18 =	simm.s32 $0x0;
	s19 =	simm.s32 $0x0;
	s17 =	sor.u32 $0x8000, s16  }
.LBB1_4:
0x3f: {  	s20 =	sshra.s32 s18, $0x2  }
0x40: {  	v0 =	vmov s20;
	_ =	sdelay $0x3  }
0x41: {  	p1 =	por $0x1, $0x1;
	s20 =	simm.s32 $0x0  }
.LBB1_5:
0x42: {  	_ = 	snop  }
0x43: {  	s21 =	sshll.u32 s20, $0xA  }
0x44: {  	s21 =	sand.u32 $0x3FFFFC00, s21  }
0x45: {  	s21 =	sadd.s32 s21, s16  }
0x46: {  	v5 =	vld.idx.msk [tilespmem:v0+s21+$0x70 ss:$0x1], $0xffff  }
0x47: {  	v6 =	vld.idx.msk [tilespmem:v0+s21+$0x10 ss:$0x1], $0xffff  }
0x48: {  	v7 =	vld.idx.msk [tilespmem:v0+s21+$0x20 ss:$0x1], $0xffff  }
0x49: {  	s31 =	sshll.u32 s20, $0x7;
	v1 =	vld.idx.msk [tilespmem:v0+s21+$0x30 ss:$0x1], $0xffff  }
0x4a: {  	s20 =	sand.u32 $0x3FFFFF80, s31;
	v2 =	vld.idx.msk [tilespmem:v0+s21+$0x40 ss:$0x1], $0xffff  }
0x4b: {  	s20 =	sadd.s32 s20, s17;
	v3 =	vld.idx.msk [tilespmem:v0+s21+$0x50 ss:$0x1], $0xffff  }
0x4c: {  	v4 =	vld.idx.msk [tilespmem:v0+s21+$0x60 ss:$0x1], $0xffff;
	[tilespmem:v0+s20+$0x70 ss:$0x1] =	vst.idx.msk $0xffff, v5  }
0x4d: {  	v5 =	vld.idx.msk [tilespmem:v0+s21+$0x0 ss:$0x1], $0xffff;
	[tilespmem:v0+s20+$0x10 ss:$0x1] =	vst.idx.msk $0xffff, v6;
	s21 =	sadd.s32 $0x80, s21  }
0x4e: {  	p0 =	por p1, p1;
	s22 =	simm.s32 $0x6;
	[tilespmem:v0+s20+$0x20 ss:$0x1] =	vst.idx.msk $0xffff, v7;
	v6 =	vld.idx.msk [tilespmem:v0+s21+$0x70 ss:$0x1], $0xffff  }
.LBB1_6:
0x4f: {  	p1 =	sne.s32 s22, $0x1;
	v7 =	vld.idx.msk [tilespmem:v0+s21+$0x10 ss:$0x1], $0xffff;
	[tilespmem:v0+s20+$0x30 ss:$0x1] =	vst.idx.msk $0xffff, v1  }
0x50: {  	v8 =	vld.idx.msk [tilespmem:v0+s21+$0x20 ss:$0x1], $0xffff;
	[tilespmem:v0+s20+$0x40 ss:$0x1] =	vst.idx.msk $0xffff, v2  }
0x51: {  	v1 =	vld.idx.msk [tilespmem:v0+s21+$0x30 ss:$0x1], $0xffff;
	[tilespmem:v0+s20+$0x50 ss:$0x1] =	vst.idx.msk $0xffff, v3  }
.Ltmp4:
0x52: {  	v2 =	vld.idx.msk [tilespmem:v0+s21+$0x40 ss:$0x1], $0xffff;
	[tilespmem:v0+s20+$0x60 ss:$0x1] =	vst.idx.msk $0xffff, v4;
	(pc) =	sbr.rel @p1 .LBB1_6-.Ltmp4, $4  }
0x53: {  	v3 =	vld.idx.msk [tilespmem:v0+s21+$0x50 ss:$0x1], $0xffff;
	[tilespmem:v0+s20+$0x0 ss:$0x1] =	vst.idx.msk $0xffff, v5;
	s20 =	sadd.s32 $0x100, s20  }
0x54: {  	v4 =	vld.idx.msk [tilespmem:v0+s21+$0x60 ss:$0x1], $0xffff;
	[tilespmem:v0+s20+$0x70 ss:$0x1] =	vst.idx.msk $0xffff, v6  }
0x55: {  	v5 =	vld.idx.msk [tilespmem:v0+s21+$0x0 ss:$0x1], $0xffff;
	[tilespmem:v0+s20+$0x10 ss:$0x1] =	vst.idx.msk $0xffff, v7;
	s21 =	sadd.s32 $0x80, s21  }
0x56: {  	s22 =	sadd.s32 $0xFFFFFFFF, s22;
	v6 =	vld.idx.msk [tilespmem:v0+s21+$0x70 ss:$0x1], $0xffff;
	[tilespmem:v0+s20+$0x20 ss:$0x1] =	vst.idx.msk $0xffff, v8  }
0x57: {  	_ =	sdelay $0x3  }
0x58: {  	[tilespmem:v0+s20+$0x30 ss:$0x1] =	vst.idx.msk $0xffff, v1  }
0x59: {  	v1 =	vld.idx.msk [tilespmem:v0+s21+$0x10 ss:$0x1], $0xffff;
	[tilespmem:v0+s20+$0x40 ss:$0x1] =	vst.idx.msk $0xffff, v2  }
0x5a: {  	v2 =	vld.idx.msk [tilespmem:v0+s21+$0x20 ss:$0x1], $0xffff;
	[tilespmem:v0+s20+$0x50 ss:$0x1] =	vst.idx.msk $0xffff, v3  }
0x5b: {  	v61 =	vld.idx.msk [tilespmem:v0+s21+$0x40 ss:$0x1], $0xffff;
	[tilespmem:v0+s20+$0x60 ss:$0x1] =	vst.idx.msk $0xffff, v4  }
0x5c: {  	s31 =	sadd.s32 $0x100, s20;
	v62 =	vld.idx.msk [tilespmem:v0+s21+$0x50 ss:$0x1], $0xffff;
	[tilespmem:v0+s20+$0x0 ss:$0x1] =	vst.idx.msk $0xffff, v5  }
0x5d: {  	v63 =	vld.idx.msk [tilespmem:v0+s21+$0x60 ss:$0x1], $0xffff;
	[tilespmem:v0+s31+$0x70 ss:$0x1] =	vst.idx.msk $0xffff, v6  }
0x5e: {  	v3 =	vld.idx.msk [tilespmem:v0+s21+$0x30 ss:$0x1], $0xffff;
	[tilespmem:v0+s31+$0x10 ss:$0x1] =	vst.idx.msk $0xffff, v1  }
0x5f: {  	v1 =	vld.idx.msk [tilespmem:v0+s21+$0x0 ss:$0x1], $0xffff;
	[tilespmem:v0+s31+$0x20 ss:$0x1] =	vst.idx.msk $0xffff, v2  }
.Ltmp5:
0x60: {  	[tilespmem:v0+s31+$0x40 ss:$0x1] =	vst.idx.msk $0xffff, v61;
	(pc) =	sbr.rel @p0 .LBB1_5-.Ltmp5, $4  }
0x61: {  	[tilespmem:v0+s31+$0x50 ss:$0x1] =	vst.idx.msk $0xffff, v62  }
0x62: {  	[tilespmem:v0+s31+$0x60 ss:$0x1] =	vst.idx.msk $0xffff, v63  }
0x63: {  	[tilespmem:v0+s31+$0x30 ss:$0x1] =	vst.idx.msk $0xffff, v3  }
0x64: {  	p1 =	por $0x0, $0x0;
	s20 =	simm.s32 $0x1;
	[tilespmem:v0+s31+$0x0 ss:$0x1] =	vst.idx.msk $0xffff, v1  }
0x65: {  	s19 =	sadd.s32 $0x1, s19  }
0x66: {  	p0 =	sne.s32 s19, s15  }
.Ltmp6:
0x67: {  	_ = 	snop;
	(pc) =	sbr.rel @p0 .LBB1_4-.Ltmp6, $4  }
.Ltmp7:
0x68: {  	_ = 	snop;
	(pc) =	sbr.rel @!p0 .LBB1_9-.Ltmp7, $4  }
0x69: {  	_ = 	snop  }
0x6a: {  	_ = 	snop  }
0x6b: {  	s18 =	sadd.s32 $0x2000, s18  }
0x6c: {  	_ = 	snop  }
.LBB1_11:
0x6d: {  	_ =	sfence.sel $0x180000  }
0x6e: {  	s2 =	simm.s32 $0x1;
	[bflag:$0x0] =	sbarrier.arrive $0xFFFF  }
0x6f: {  	s31 =	simm.s32 $0x2;
	[sflag:s2] =	ssyncpa.u1 $0x1  }
0x70: {  	[sflag:s31] =	ssyncpa.u1 $0x1  }
0x71: {  	p0 =	sne.s32 s1, $0x0;
	_ =	strace $0x9000004A  }
0x72: {  	s0 =	sadd.s32 @!p0 $0x100000, s0;
	[bflag:$0x2] =	sbarrier.arrive $0xFFFF  }
0x73: {  	[sflag:s0] =	ssyncadd.tile.s32 @!p0 $0x1;
	_ =	shalt  }
.Lfunc_end1:
_tile_overlayer_lowered:
.L_overlay_start_2:
0x74: {  	(tag) =	ssettag $0x2  }
0x75: {  	s0 =	rddreg [dreg:$0x0];
	s2 =	stileid.u32  }
0x76: {  	s1 =	rddreg [dreg:$0x1];
	p0 =	sne.s32 s2, $0x0  }
0x77: {  	s3 =	rddreg [dreg:$0x2];
	[bflag:$0x3] =	sbarrier.arrive $0xFFFF;
	s2 =	simm.s32 @!p0 $0x1C01  }
0x78: {  	[timem:s3], [sflag:s2] =	dma.local @!p0 [hbm:s0], s1  }
0x79: {  	s0 =	simm.s32 @!p0 $0x1  }
0x7a: {  	_ =	swait.ge @!p0 [sflag:s0], s1  }
0x7b: {  	s1 =	ssub.s32 @!p0 $0x0, s1;
	[sflag:s0] =	ssyncset.done @!p0 $0x0  }
0x7c: {  	[sflag:s0] =	ssyncadd.s32 @!p0 s1  }
0x7d: {  	[bflag:$0x3] =	sbarrier.arrive $0xFFFF  }
0x7e: {  	_ =	shalt  }

</sc_bundles>
